<compile_context>
chip_gen: v7x
topology: tpu7x:2x2x1
jax: 0.10.2.dev20260603
libtpu: 0.0.44.dev20260713+nightly
codegen_flags: <defaults>
</compile_context>

<pallas_src>
import functools

import jax
import jax.numpy as jnp
from jax import lax
from jax.experimental import pallas as pl
from jax.experimental.pallas import tpu as pltpu
from jax.experimental.pallas import tpu_sc as plsc

N = 10000
DF = 128
R = 2
B = 1024
E = 160000
TOPK = E // 2

NC, NS, L = 2, 16, 16
EPT = E // NS
BPT = B // NS
G = 64
NPAD = 10016
DUMMY = N

_mesh = plsc.VectorSubcoreMesh(
    core_axis_name="c", subcore_axis_name="s", num_cores=NC, num_subcores=NS)


def _dnet_body(f_ref, W1_ref, b1_ref, W2_ref, b2_ref, d_ref):
    f = f_ref[...]
    for r in range(R):
        h = jnp.dot(f, W1_ref[r], preferred_element_type=jnp.float32)
        h = jnp.maximum(h + b1_ref[r][None, :], 0.0)
        zt = lax.dot_general(W2_ref[r, :, 1][None, :], h,
                             (((1,), (1,)), ((), ())),
                             preferred_element_type=jnp.float32)
        d_ref[r] = jax.nn.sigmoid(zt[0] + b2_ref[r, 1])


def _dnet(features, W1, b1, W2, b2):
    return pl.pallas_call(
        _dnet_body,
        out_shape=jax.ShapeDtypeStruct((R, N), jnp.float32),
    )(features, W1, b1, W2, b2)


@functools.partial(
    pl.kernel,
    out_type=[jax.ShapeDtypeStruct((R * E,), jnp.float32),
              jax.ShapeDtypeStruct((R, B, DF), jnp.float32)],
    mesh=_mesh,
    compiler_params=pltpu.CompilerParams(needs_layout_passes=False),
    scratch_types=[pltpu.VMEM((N,), jnp.float32),
                   pltpu.VMEM((N,), jnp.float32),
                   pltpu.VMEM((EPT,), jnp.int32),
                   pltpu.VMEM((EPT,), jnp.int32),
                   pltpu.VMEM((EPT,), jnp.float32),
                   pltpu.VMEM((B,), jnp.int32),
                   pltpu.VMEM((BPT, DF), jnp.float32),
                   pltpu.SemaphoreType.DMA],
)
def _k2(d_hbm, edge_hbm, picked_hbm, feat_hbm, diffs_hbm, ctr_hbm,
        d_v, flag_v, src_v, dst_v, diff_v, pickall_v, rows_v, sem):
    c = lax.axis_index("c")
    s = lax.axis_index("s")
    base = s * EPT
    pltpu.async_copy(d_hbm.at[pl.ds(c * N, N)], d_v, sem)
    pltpu.async_copy(edge_hbm.at[pl.ds(c * 2 * E + base, EPT)], src_v, sem)
    pltpu.async_copy(edge_hbm.at[pl.ds(c * 2 * E + E + base, EPT)], dst_v,
                     sem)
    pltpu.async_copy(picked_hbm.at[pl.ds(c * B, B)], pickall_v, sem)
    pltpu.make_async_copy(d_hbm.at[pl.ds(c * N, N)], d_v, sem).wait()
    pltpu.make_async_copy(edge_hbm.at[pl.ds(c * 2 * E + base, EPT)], src_v,
                          sem).wait()
    pltpu.make_async_copy(edge_hbm.at[pl.ds(c * 2 * E + E + base, EPT)],
                          dst_v, sem).wait()
    pltpu.make_async_copy(picked_hbm.at[pl.ds(c * B, B)], pickall_v,
                          sem).wait()

    def fz(i, carry):
        flag_v[pl.ds(i * L, L)] = jnp.zeros((L,), jnp.float32)
        return carry

    lax.fori_loop(0, N // L, fz, 0)

    def fs(i, carry):
        idx = pickall_v[pl.ds(i * L, L)]
        plsc.store_scatter(flag_v, [idx], jnp.ones((L,), jnp.float32))
        return carry

    lax.fori_loop(0, B // L, fs, 0)

    def body(i, carry):
        for u in range(4):
            off = (i * 4 + u) * L
            si = src_v[pl.ds(off, L)]
            di = dst_v[pl.ds(off, L)]
            a = plsc.load_gather(d_v, [si])
            b = plsc.load_gather(d_v, [di])
            fl = plsc.load_gather(flag_v, [di])
            ad = jnp.abs(b - a)
            diff_v[pl.ds(off, L)] = jnp.where(fl > 0.0, ad, -ad)
        return carry

    lax.fori_loop(0, EPT // L // 4, body, 0)
    for u in range(EPT // L - (EPT // L // 4) * 4):
        i = EPT // L - EPT // L % 4 + u
        si = src_v[pl.ds(i * L, L)]
        di = dst_v[pl.ds(i * L, L)]
        a = plsc.load_gather(d_v, [si])
        b = plsc.load_gather(d_v, [di])
        fl = plsc.load_gather(flag_v, [di])
        ad = jnp.abs(b - a)
        diff_v[pl.ds(i * L, L)] = jnp.where(fl > 0.0, ad, -ad)
    pltpu.sync_copy(diff_v, diffs_hbm.at[pl.ds(c * E + base, EPT)])

    pltpu.async_copy(feat_hbm.at[pickall_v.at[pl.ds(s * BPT, BPT)]],
                     rows_v, sem).wait()
    pltpu.sync_copy(rows_v, ctr_hbm.at[c, pl.ds(s * BPT, BPT)])


def _rho_body(diffs_ref, rho_ref):
    d = jnp.abs(diffs_ref[...])
    bits = lax.bitcast_convert_type(d, jnp.int32)

    def step(i, lohi):
        lo, hi = lohi
        mid = (lo + hi + 1) // 2
        cnt = jnp.sum((bits >= mid).astype(jnp.int32), axis=1, keepdims=True)
        take = cnt >= TOPK
        return jnp.where(take, mid, lo), jnp.where(take, hi, mid - 1)

    lo0 = jnp.zeros((R, 1), jnp.int32)
    hi0 = jnp.full((R, 1), 0x3F800000, jnp.int32)
    lo, _ = lax.fori_loop(0, 31, step, (lo0, hi0))
    t = lax.bitcast_convert_type(lo, jnp.float32)
    gt = d > t
    cnt_gt = jnp.sum(gt.astype(jnp.float32), axis=1, keepdims=True)
    sum_gt = jnp.sum(jnp.where(gt, d, 0.0), axis=1, keepdims=True)
    rho = (sum_gt + t * (TOPK - cnt_gt)) * (1.0 / TOPK)
    rho_ref[...] = jnp.broadcast_to(rho, (R, 128))


def _rho(diffs):
    return pl.pallas_call(
        _rho_body,
        out_shape=jax.ShapeDtypeStruct((R, 128), jnp.float32),
    )(diffs)


@functools.partial(
    pl.kernel,
    out_type=[jax.ShapeDtypeStruct((R, B, DF), jnp.float32)],
    mesh=_mesh,
    compiler_params=pltpu.CompilerParams(needs_layout_passes=False),
    scratch_types=[pltpu.VMEM((EPT + 96,), jnp.int32),
                   pltpu.VMEM((EPT + 96,), jnp.int32),
                   pltpu.VMEM((EPT,), jnp.float32),
                   pltpu.VMEM((L,), jnp.float32),
                   pltpu.VMEM((BPT,), jnp.int32),
                   pltpu.VMEM((G,), jnp.int32),
                   pltpu.VMEM((G,), jnp.int32),
                   pltpu.VMEM((G, DF), jnp.float32),
                   pltpu.VMEM((G, DF), jnp.float32),
                   pltpu.VMEM_SHARED((NPAD, DF), jnp.float32),
                   pltpu.SemaphoreType.DMA,
                   pltpu.SemaphoreType.DMA],
)
def _k4(rho_hbm, diffs_hbm, edge_hbm, picked_hbm, feat_hbm, neigh_hbm,
        src_v, dst_v, diff_v, rho_v, pick_v, idx0_v, idx1_v,
        rows0_v, rows1_v, acc, sem0, sem1):
    c = lax.axis_index("c")
    s = lax.axis_index("s")
    base = s * EPT

    pltpu.async_copy(edge_hbm.at[pl.ds(c * 2 * E + base, EPT)],
                     src_v.at[pl.ds(0, EPT)], sem0)
    pltpu.async_copy(edge_hbm.at[pl.ds(c * 2 * E + E + base, EPT)],
                     dst_v.at[pl.ds(0, EPT)], sem0)
    pltpu.async_copy(diffs_hbm.at[pl.ds(c * E + base, EPT)], diff_v, sem0)
    pltpu.async_copy(rho_hbm.at[pl.ds(c * 128, L)], rho_v, sem0)
    pltpu.async_copy(picked_hbm.at[pl.ds(c * B + s * BPT, BPT)], pick_v, sem0)
    pltpu.make_async_copy(edge_hbm.at[pl.ds(c * 2 * E + base, EPT)],
                          src_v.at[pl.ds(0, EPT)], sem0).wait()
    pltpu.make_async_copy(edge_hbm.at[pl.ds(c * 2 * E + E + base, EPT)],
                          dst_v.at[pl.ds(0, EPT)], sem0).wait()
    pltpu.make_async_copy(diffs_hbm.at[pl.ds(c * E + base, EPT)],
                          diff_v, sem0).wait()
    pltpu.make_async_copy(rho_hbm.at[pl.ds(c * 128, L)], rho_v, sem0).wait()
    pltpu.make_async_copy(picked_hbm.at[pl.ds(c * B + s * BPT, BPT)],
                          pick_v, sem0).wait()

    def zb(i, carry):
        def zb2(j, carry2):
            rows0_v[i, pl.ds(j * L, L)] = jnp.zeros((L,), jnp.float32)
            return carry2
        return lax.fori_loop(0, DF // L, zb2, carry)
    lax.fori_loop(0, G, zb, 0)
    zbase = s * (NPAD // NS)
    for j in range(9):
        pltpu.async_copy(rows0_v, acc.at[pl.ds(zbase + j * G, G)], sem1)
    pltpu.async_copy(rows0_v.at[pl.ds(0, 50)], acc.at[pl.ds(zbase + 576, 50)],
                     sem1)
    for j in range(9):
        pltpu.make_async_copy(rows0_v, acc.at[pl.ds(zbase + j * G, G)],
                              sem1).wait()
    pltpu.make_async_copy(rows0_v.at[pl.ds(0, 50)],
                          acc.at[pl.ds(zbase + 576, 50)], sem1).wait()

    rho16 = rho_v[...]

    def judge(off):
        df = diff_v[pl.ds(off, L)]
        sv = src_v[pl.ds(off, L)]
        dv = dst_v[pl.ds(off, L)]
        keep = jnp.logical_and(
            plsc.bitcast(df, jnp.int32) >= 0, jnp.abs(df) < rho16)
        return sv, dv, keep, jnp.sum(keep.astype(jnp.int32))

    def emit(cnt, rec):
        sv, dv, keep, ksum = rec
        plsc.store_compressed(src_v.at[pl.ds(cnt, L)], sv, mask=keep)
        plsc.store_compressed(dst_v.at[pl.ds(cnt, L)], dv, mask=keep)
        return cnt + ksum

    UNROLL = 4

    def mbody(i, cnt):
        recs = [judge((i * UNROLL + u) * L) for u in range(UNROLL)]
        for rec in recs:
            cnt = emit(cnt, rec)
        return cnt

    NB = EPT // L
    cnt = lax.fori_loop(0, NB // UNROLL, mbody, 0)
    for u in range(NB - (NB // UNROLL) * UNROLL):
        cnt = emit(cnt, judge((NB - NB % UNROLL + u) * L))

    for j in range(G // L + 1):
        src_v[pl.ds(cnt + j * L, L)] = jnp.zeros((L,), jnp.int32)
        dst_v[pl.ds(cnt + j * L, L)] = jnp.full((L,), DUMMY, jnp.int32)
    plsc.subcore_barrier()

    nchunks = (cnt + G - 1) // G

    def gather(g, buf, sem):
        return pltpu.async_copy(
            feat_hbm.at[src_v.at[pl.ds(g * G, G)]], buf, sem)

    def drain(g, buf, idx, sem):
        pltpu.make_async_copy(
            feat_hbm.at[src_v.at[pl.ds(g * G, G)]], buf, sem).wait()

        def stage(j, carry2):
            idx[pl.ds(j * L, L)] = dst_v[pl.ds(g * G + j * L, L)]
            return carry2

        lax.fori_loop(0, G // L, stage, 0)
        pltpu.sync_copy(buf, acc.at[idx], add=True)

    @pl.when(nchunks > 0)
    def _():
        gather(0, rows0_v, sem0)

    def pair(p, carry):
        even = 2 * p
        odd = even + 1

        @pl.when(odd < nchunks)
        def _():
            gather(odd, rows1_v, sem1)

        drain(even, rows0_v, idx0_v, sem0)

        @pl.when(odd < nchunks)
        def _():
            @pl.when(odd + 1 < nchunks)
            def _():
                gather(odd + 1, rows0_v, sem0)

            drain(odd, rows1_v, idx1_v, sem1)

        return carry

    lax.fori_loop(0, (nchunks + 1) // 2, pair, 0)
    plsc.subcore_barrier()

    pltpu.async_copy(acc.at[pick_v], rows0_v, sem0).wait()
    pltpu.sync_copy(rows0_v, neigh_hbm.at[c, pl.ds(s * BPT, BPT)])


def _final_body(ctr_ref, neigh_ref, w_ref, out_ref):
    x = (ctr_ref[0] + ctr_ref[1]) * 0.5 + neigh_ref[0] + neigh_ref[1]
    y = lax.dot_general(x, w_ref[...], (((1,), (1,)), ((), ())),
                        preferred_element_type=jnp.float32)
    out_ref[...] = jnp.maximum(y, 0.0)


def _final(ctr, neigh, weight):
    return pl.pallas_call(
        _final_body,
        out_shape=jax.ShapeDtypeStruct((B, DF), jnp.float32),
    )(ctr, neigh, weight)


def kernel(features, weight, W1, b1, W2, b2, picked_nodes, edge_index):
    d = _dnet(features, W1, b1, W2, b2).reshape(R * N)
    edge_flat = edge_index.reshape(R * 2 * E)
    picked_flat = picked_nodes.reshape(R * B)
    diffs, ctr = _k2(d, edge_flat, picked_flat, features)
    rho = _rho(diffs.reshape(R, E)).reshape(R * 128)
    (neigh,) = _k4(rho, diffs, edge_flat, picked_flat, features)
    return _final(ctr, neigh, weight)

# --- scband reference (transcript-rebuilt; emitter-appended) ---
"""Pipeline reference for scband-inter-aggregator-17025250361956 (READ-ONLY COPY).

The authoritative reference and input builder live on the scoring server;
editing this copy changes nothing except your own understanding.
"""

import jax, jax.numpy as jnp
import numpy as np

N = 10000
D_FEAT = 128
D_EMB = 128
R = 2
B = 1024
E = 160000


def setup_inputs(seed: int = 0) -> dict:
    key = jax.random.key(seed)
    ks = jax.random.split(key, 8)
    features = jax.random.normal(ks[0], (N, D_FEAT), dtype=jnp.float32)
    picked_nodes = jax.random.randint(ks[1], (R, B), 0, N)
    edge_index = jax.random.randint(ks[2], (R, 2, E), 0, N)
    # nn.Parameter(embedding_dimension, features_dimension) with xavier_uniform_
    limit = float(np.sqrt(6.0 / (D_EMB + D_FEAT)))
    weight = jax.random.uniform(ks[3], (D_EMB, D_FEAT), minval=-limit, maxval=limit, dtype=jnp.float32)
    # per-relation distance nets: Linear(d_feat,16) -> ReLU -> Linear(16,2) -> Sigmoid
    W1 = jax.random.normal(ks[4], (R, D_FEAT, 16), dtype=jnp.float32) * 0.05
    b1 = jnp.zeros((R, 16), dtype=jnp.float32)
    W2 = jax.random.normal(ks[5], (R, 16, 2), dtype=jnp.float32) * 0.05
    b2 = jnp.zeros((R, 2), dtype=jnp.float32)
    return {"features": features, "weight": weight, "W1": W1, "b1": b1,
            "W2": W2, "b2": b2, "picked_nodes": picked_nodes, "edge_index": edge_index}


def _distance(x, W1, b1, W2, b2):
    h = jax.nn.relu(x @ W1 + b1)
    return jax.nn.sigmoid(h @ W2 + b2)[:, 1]


def reference(features, weight, W1, b1, W2, b2, picked_nodes, edge_index):
    Rr, Bn = picked_nodes.shape
    center_h = jnp.zeros((Bn, weight.shape[0]), dtype=features.dtype)
    aggregated = jnp.zeros((Bn, weight.shape[0]), dtype=features.dtype)
    for r in range(Rr):
        cfeat = jnp.take(features, picked_nodes[r], axis=0)          # gather center feats
        center_h = center_h + cfeat @ weight.T                       # weight.mm(center.t())
        src = edge_index[r, 0]
        dst = edge_index[r, 1]
        d_all = _distance(features, W1[r], b1[r], W2[r], b2[r])      # distance net scores
        d_src = jnp.take(d_all, src)
        d_dst = jnp.take(d_all, dst)
        diffs = jnp.abs(d_dst - d_src)
        k = diffs.shape[0] // 2
        # rho_minus: mean of top-half descending-sorted distance diffs
        top_diffs, _ = jax.lax.top_k(diffs, k)
        rho_minus = jnp.sum(top_diffs) / k
        mask = (diffs < rho_minus).astype(features.dtype)            # keep close neighbors
        msg = jnp.take(features, src, axis=0) * mask[:, None]        # gather neighbor feats
        agg_nodes = jax.ops.segment_sum(msg, dst, num_segments=features.shape[0])
        neigh = jnp.take(agg_nodes, picked_nodes[r], axis=0)
        aggregated = aggregated + neigh @ weight.T                   # weight.mm(neigh.t())
    combined = jax.nn.relu(center_h / Rr + aggregated)
    return combined

if __name__ == "__main__":
    import jax
    _d = setup_inputs()
    print(jax.jit(kernel)(*tuple(_d.values())))

</pallas_src>

<mosaic_0001>
#map = affine_map<(d0, d1) -> (0)>
#map1 = affine_map<(d0, d1) -> (0, 0)>
#map2 = affine_map<(d0, d1) -> (0, 0, 0)>
module attributes {stable_mosaic.version = 14 : i64} {
  func.func @_k4(%arg0: i32, %arg1: i32, %arg2: memref<256xf32, #tpu.memory_space<hbm>>, %arg3: memref<320000xf32, #tpu.memory_space<hbm>>, %arg4: memref<640000xi32, #tpu.memory_space<hbm>>, %arg5: memref<2048xi32, #tpu.memory_space<hbm>>, %arg6: memref<10000x128xf32, #tpu.memory_space<hbm>>, %arg7: memref<2x1024x128xf32, #tpu.memory_space<hbm>>, %arg8: memref<10096xi32, #tpu.memory_space<vmem>>, %arg9: memref<10096xi32, #tpu.memory_space<vmem>>, %arg10: memref<10000xf32, #tpu.memory_space<vmem>>, %arg11: memref<16xf32, #tpu.memory_space<vmem>>, %arg12: memref<64xi32, #tpu.memory_space<vmem>>, %arg13: memref<64xi32, #tpu.memory_space<vmem>>, %arg14: memref<64xi32, #tpu.memory_space<vmem>>, %arg15: memref<64x128xf32, #tpu.memory_space<vmem>>, %arg16: memref<64x128xf32, #tpu.memory_space<vmem>>, %arg17: memref<10016x128xf32, #tpu.memory_space<vmem_shared>>, %arg18: memref<!tpu.dma_semaphore, #tpu.memory_space<semaphore_mem>>, %arg19: memref<!tpu.dma_semaphore, #tpu.memory_space<semaphore_mem>>) attributes {dimension_semantics = [#tpu.dimension_semantics<core_parallel>, #tpu.dimension_semantics<subcore_parallel>], iteration_bounds = array<i64: 2, 16>, scalar_prefetch = 0 : i64, scratch_operands = 12 : i64, tpu.core_type = #tpu.core_type<sc_vector_subcore>, window_params = [{transform_indices = #map}, {transform_indices = #map}, {transform_indices = #map}, {transform_indices = #map}, {transform_indices = #map1}, {transform_indices = #map2}]} {
    %mul3A = arith.constant 10000 : i32
    %mul3A_0 = arith.muli %arg1, %mul3A : i32
    %mul3A_1 = arith.constant 2 : i32
    %mul3A_2 = arith.muli %arg0, %mul3A_1 : i32
    %mul3A_3 = arith.constant 160000 : i32
    %mul3A_4 = arith.muli %mul3A_2, %mul3A_3 : i32
    %add3A = arith.addi %mul3A_4, %mul3A_0 : i32
    %dma_start3A = arith.constant 0 : i32
    %dma_start3A_5 = tpu.memref_slice %arg8[%dma_start3A] : memref<10096xi32, #tpu.memory_space<vmem>> -> memref<10000xi32, #tpu.memory_space<vmem>>
    %dma_start3A_6 = tpu.memref_slice %arg4[%add3A] : memref<640000xi32, #tpu.memory_space<hbm>> -> memref<10000xi32, #tpu.memory_space<hbm>>
    %dma_start3A_7 = arith.constant 0 : i32
    %dma_start3A_8 = tpu.memref_slice %arg8[%dma_start3A_7] : memref<10096xi32, #tpu.memory_space<vmem>> -> memref<10000xi32, #tpu.memory_space<vmem>>
    %dma_start3A_9 = tpu.memref_slice %arg4[%add3A] : memref<640000xi32, #tpu.memory_space<hbm>> -> memref<10000xi32, #tpu.memory_space<hbm>>
    tpu.enqueue_dma source(%dma_start3A_9 : memref<10000xi32, #tpu.memory_space<hbm>>) target(%dma_start3A_8 : memref<10000xi32, #tpu.memory_space<vmem>>) target_semaphore(%arg18 : memref<!tpu.dma_semaphore, #tpu.memory_space<semaphore_mem>>)
    %mul3A_10 = arith.constant 2 : i32
    %mul3A_11 = arith.muli %arg0, %mul3A_10 : i32
    %mul3A_12 = arith.constant 160000 : i32
    %mul3A_13 = arith.muli %mul3A_11, %mul3A_12 : i32
    %add3A_14 = arith.constant 160000 : i32
    %add3A_15 = arith.addi %mul3A_13, %add3A_14 : i32
    %add3A_16 = arith.addi %add3A_15, %mul3A_0 : i32
    %dma_start3A_17 = arith.constant 0 : i32
    %dma_start3A_18 = tpu.memref_slice %arg9[%dma_start3A_17] : memref<10096xi32, #tpu.memory_space<vmem>> -> memref<10000xi32, #tpu.memory_space<vmem>>
    %dma_start3A_19 = tpu.memref_slice %arg4[%add3A_16] : memref<640000xi32, #tpu.memory_space<hbm>> -> memref<10000xi32, #tpu.memory_space<hbm>>
    %dma_start3A_20 = arith.constant 0 : i32
    %dma_start3A_21 = tpu.memref_slice %arg9[%dma_start3A_20] : memref<10096xi32, #tpu.memory_space<vmem>> -> memref<10000xi32, #tpu.memory_space<vmem>>
    %dma_start3A_22 = tpu.memref_slice %arg4[%add3A_16] : memref<640000xi32, #tpu.memory_space<hbm>> -> memref<10000xi32, #tpu.memory_space<hbm>>
    tpu.enqueue_dma source(%dma_start3A_22 : memref<10000xi32, #tpu.memory_space<hbm>>) target(%dma_start3A_21 : memref<10000xi32, #tpu.memory_space<vmem>>) target_semaphore(%arg18 : memref<!tpu.dma_semaphore, #tpu.memory_space<semaphore_mem>>)
    %mul3A_23 = arith.constant 160000 : i32
    %mul3A_24 = arith.muli %arg0, %mul3A_23 : i32
    %add3A_25 = arith.addi %mul3A_24, %mul3A_0 : i32
    %dma_start3A_26 = tpu.memref_slice %arg3[%add3A_25] : memref<320000xf32, #tpu.memory_space<hbm>> -> memref<10000xf32, #tpu.memory_space<hbm>>
    %dma_start3A_27 = tpu.memref_slice %arg3[%add3A_25] : memref<320000xf32, #tpu.memory_space<hbm>> -> memref<10000xf32, #tpu.memory_space<hbm>>
    tpu.enqueue_dma source(%dma_start3A_27 : memref<10000xf32, #tpu.memory_space<hbm>>) target(%arg10 : memref<10000xf32, #tpu.memory_space<vmem>>) target_semaphore(%arg18 : memref<!tpu.dma_semaphore, #tpu.memory_space<semaphore_mem>>)
    %mul3A_28 = arith.constant 128 : i32
    %mul3A_29 = arith.muli %arg0, %mul3A_28 : i32
    %dma_start3A_30 = tpu.memref_slice %arg2[%mul3A_29] : memref<256xf32, #tpu.memory_space<hbm>> -> memref<16xf32, #tpu.memory_space<hbm>>
    %dma_start3A_31 = tpu.memref_slice %arg2[%mul3A_29] : memref<256xf32, #tpu.memory_space<hbm>> -> memref<16xf32, #tpu.memory_space<hbm>>
    tpu.enqueue_dma source(%dma_start3A_31 : memref<16xf32, #tpu.memory_space<hbm>>) target(%arg11 : memref<16xf32, #tpu.memory_space<vmem>>) target_semaphore(%arg18 : memref<!tpu.dma_semaphore, #tpu.memory_space<semaphore_mem>>)
    %mul3A_32 = arith.constant 1024 : i32
    %mul3A_33 = arith.muli %arg0, %mul3A_32 : i32
    %mul3A_34 = arith.constant 64 : i32
    %mul3A_35 = arith.muli %arg1, %mul3A_34 : i32
    %add3A_36 = arith.addi %mul3A_33, %mul3A_35 : i32
    %dma_start3A_37 = tpu.memref_slice %arg5[%add3A_36] : memref<2048xi32, #tpu.memory_space<hbm>> -> memref<64xi32, #tpu.memory_space<hbm>>
    %dma_start3A_38 = tpu.memref_slice %arg5[%add3A_36] : memref<2048xi32, #tpu.memory_space<hbm>> -> memref<64xi32, #tpu.memory_space<hbm>>
    tpu.enqueue_dma source(%dma_start3A_38 : memref<64xi32, #tpu.memory_space<hbm>>) target(%arg12 : memref<64xi32, #tpu.memory_space<vmem>>) target_semaphore(%arg18 : memref<!tpu.dma_semaphore, #tpu.memory_space<semaphore_mem>>)
    %mul3A_39 = arith.constant 2 : i32
    %mul3A_40 = arith.muli %arg0, %mul3A_39 : i32
    %mul3A_41 = arith.constant 160000 : i32
    %mul3A_42 = arith.muli %mul3A_40, %mul3A_41 : i32
    %add3A_43 = arith.addi %mul3A_42, %mul3A_0 : i32
    %dma_wait3A = arith.constant 0 : i32
    %dma_wait3A_44 = tpu.memref_slice %arg8[%dma_wait3A] : memref<10096xi32, #tpu.memory_space<vmem>> -> memref<10000xi32, #tpu.memory_space<vmem>>
    %dma_wait3A_45 = tpu.memref_slice %arg4[%add3A_43] : memref<640000xi32, #tpu.memory_space<hbm>> -> memref<10000xi32, #tpu.memory_space<hbm>>
    %dma_wait3A_46 = arith.constant 0 : i32
    %dma_wait3A_47 = tpu.memref_slice %arg8[%dma_wait3A_46] : memref<10096xi32, #tpu.memory_space<vmem>> -> memref<10000xi32, #tpu.memory_space<vmem>>
    %dma_wait3A_48 = tpu.memref_slice %arg4[%add3A_43] : memref<640000xi32, #tpu.memory_space<hbm>> -> memref<10000xi32, #tpu.memory_space<hbm>>
    tpu.wait_dma2 semaphore(%arg18 : memref<!tpu.dma_semaphore, #tpu.memory_space<semaphore_mem>>) src(%dma_wait3A_48 : memref<10000xi32, #tpu.memory_space<hbm>>) dst(%dma_wait3A_47 : memref<10000xi32, #tpu.memory_space<vmem>>)
    %mul3A_49 = arith.constant 2 : i32
    %mul3A_50 = arith.muli %arg0, %mul3A_49 : i32
    %mul3A_51 = arith.constant 160000 : i32
    %mul3A_52 = arith.muli %mul3A_50, %mul3A_51 : i32
    %add3A_53 = arith.constant 160000 : i32
    %add3A_54 = arith.addi %mul3A_52, %add3A_53 : i32
    %add3A_55 = arith.addi %add3A_54, %mul3A_0 : i32
    %dma_wait3A_56 = arith.constant 0 : i32
    %dma_wait3A_57 = tpu.memref_slice %arg9[%dma_wait3A_56] : memref<10096xi32, #tpu.memory_space<vmem>> -> memref<10000xi32, #tpu.memory_space<vmem>>
    %dma_wait3A_58 = tpu.memref_slice %arg4[%add3A_55] : memref<640000xi32, #tpu.memory_space<hbm>> -> memref<10000xi32, #tpu.memory_space<hbm>>
    %dma_wait3A_59 = arith.constant 0 : i32
    %dma_wait3A_60 = tpu.memref_slice %arg9[%dma_wait3A_59] : memref<10096xi32, #tpu.memory_space<vmem>> -> memref<10000xi32, #tpu.memory_space<vmem>>
    %dma_wait3A_61 = tpu.memref_slice %arg4[%add3A_55] : memref<640000xi32, #tpu.memory_space<hbm>> -> memref<10000xi32, #tpu.memory_space<hbm>>
    tpu.wait_dma2 semaphore(%arg18 : memref<!tpu.dma_semaphore, #tpu.memory_space<semaphore_mem>>) src(%dma_wait3A_61 : memref<10000xi32, #tpu.memory_space<hbm>>) dst(%dma_wait3A_60 : memref<10000xi32, #tpu.memory_space<vmem>>)
    %mul3A_62 = arith.constant 160000 : i32
    %mul3A_63 = arith.muli %arg0, %mul3A_62 : i32
    %add3A_64 = arith.addi %mul3A_63, %mul3A_0 : i32
    %dma_wait3A_65 = tpu.memref_slice %arg3[%add3A_64] : memref<320000xf32, #tpu.memory_space<hbm>> -> memref<10000xf32, #tpu.memory_space<hbm>>
    %dma_wait3A_66 = tpu.memref_slice %arg3[%add3A_64] : memref<320000xf32, #tpu.memory_space<hbm>> -> memref<10000xf32, #tpu.memory_space<hbm>>
    tpu.wait_dma2 semaphore(%arg18 : memref<!tpu.dma_semaphore, #tpu.memory_space<semaphore_mem>>) src(%dma_wait3A_66 : memref<10000xf32, #tpu.memory_space<hbm>>) dst(%arg10 : memref<10000xf32, #tpu.memory_space<vmem>>)
    %mul3A_67 = arith.constant 128 : i32
    %mul3A_68 = arith.muli %arg0, %mul3A_67 : i32
    %dma_wait3A_69 = tpu.memref_slice %arg2[%mul3A_68] : memref<256xf32, #tpu.memory_space<hbm>> -> memref<16xf32, #tpu.memory_space<hbm>>
    %dma_wait3A_70 = tpu.memref_slice %arg2[%mul3A_68] : memref<256xf32, #tpu.memory_space<hbm>> -> memref<16xf32, #tpu.memory_space<hbm>>
    tpu.wait_dma2 semaphore(%arg18 : memref<!tpu.dma_semaphore, #tpu.memory_space<semaphore_mem>>) src(%dma_wait3A_70 : memref<16xf32, #tpu.memory_space<hbm>>) dst(%arg11 : memref<16xf32, #tpu.memory_space<vmem>>)
    %mul3A_71 = arith.constant 1024 : i32
    %mul3A_72 = arith.muli %arg0, %mul3A_71 : i32
    %mul3A_73 = arith.constant 64 : i32
    %mul3A_74 = arith.muli %arg1, %mul3A_73 : i32
    %add3A_75 = arith.addi %mul3A_72, %mul3A_74 : i32
    %dma_wait3A_76 = tpu.memref_slice %arg5[%add3A_75] : memref<2048xi32, #tpu.memory_space<hbm>> -> memref<64xi32, #tpu.memory_space<hbm>>
    %dma_wait3A_77 = tpu.memref_slice %arg5[%add3A_75] : memref<2048xi32, #tpu.memory_space<hbm>> -> memref<64xi32, #tpu.memory_space<hbm>>
    tpu.wait_dma2 semaphore(%arg18 : memref<!tpu.dma_semaphore, #tpu.memory_space<semaphore_mem>>) src(%dma_wait3A_77 : memref<64xi32, #tpu.memory_space<hbm>>) dst(%arg12 : memref<64xi32, #tpu.memory_space<vmem>>)
    %scan3A = arith.constant 0 : i32
    %scan3A_78 = arith.constant 0 : i32
    %scan3A_79 = arith.constant 64 : i32
    %scan3A_80 = arith.addi %scan3A_78, %scan3A_79 : i32
    %scan3A_81 = arith.constant 1 : i32
    scf.for %scan3A_367 = %scan3A_78 to %scan3A_80 step %scan3A_81  : i32 {
      %scan3A_368 = arith.constant 0 : i32
      %scan3A_369 = arith.constant 8 : i32
      %scan3A_370 = arith.addi %scan3A_368, %scan3A_369 : i32
      %scan3A_371 = arith.constant 1 : i32
      scf.for %scan3A_373 = %scan3A_368 to %scan3A_370 step %scan3A_371  : i32 {
        %broadcast_in_dim3A_374 = arith.constant 0.000000e+00 : f32
        %broadcast_in_dim3A_375 = vector.broadcast %broadcast_in_dim3A_374 : f32 to vector<16xf32>
        %mul3A_376 = arith.constant 16 : i32
        %mul3A_377 = arith.muli %scan3A_373, %mul3A_376 : i32
        %swap3A_378 = arith.index_cast %scan3A_367 : i32 to index
        %swap3A_379 = arith.index_cast %mul3A_377 : i32 to index
        %swap3A_380 = tpu.vector_load %arg15[%swap3A_378, %swap3A_379] {strides = array<i32>} : memref<64x128xf32, #tpu.memory_space<vmem>>, vector<16xf32>,
        tpu.vector_store %arg15[%swap3A_378, %swap3A_379], %broadcast_in_dim3A_375 {strides = array<i32>} : memref<64x128xf32, #tpu.memory_space<vmem>>, vector<16xf32>,
      }
      %scan3A_372 = arith.constant 8 : i32
    }
    %scan3A_82 = arith.constant 64 : i32
    %mul3A_83 = arith.constant 626 : i32
    %mul3A_84 = arith.muli %arg1, %mul3A_83 : i32
    %add3A_85 = arith.constant 0 : i32
    %add3A_86 = arith.addi %mul3A_84, %add3A_85 : i32
    %dma_start3A_87 = arith.constant 0 : i32
    %dma_start3A_88 = tpu.memref_slice %arg17[%add3A_86, %dma_start3A_87] : memref<10016x128xf32, #tpu.memory_space<vmem_shared>> -> memref<64x128xf32, #tpu.memory_space<vmem_shared>>
    %dma_start3A_89 = arith.constant 0 : i32
    %dma_start3A_90 = tpu.memref_slice %arg17[%add3A_86, %dma_start3A_89] : memref<10016x128xf32, #tpu.memory_space<vmem_shared>> -> memref<64x128xf32, #tpu.memory_space<vmem_shared>>
    tpu.enqueue_dma source(%arg15 : memref<64x128xf32, #tpu.memory_space<vmem>>) target(%dma_start3A_90 : memref<64x128xf32, #tpu.memory_space<vmem_shared>>) target_semaphore(%arg19 : memref<!tpu.dma_semaphore, #tpu.memory_space<semaphore_mem>>)
    %add3A_91 = arith.constant 64 : i32
    %add3A_92 = arith.addi %mul3A_84, %add3A_91 : i32
    %dma_start3A_93 = arith.constant 0 : i32
    %dma_start3A_94 = tpu.memref_slice %arg17[%add3A_92, %dma_start3A_93] : memref<10016x128xf32, #tpu.memory_space<vmem_shared>> -> memref<64x128xf32, #tpu.memory_space<vmem_shared>>
    %dma_start3A_95 = arith.constant 0 : i32
    %dma_start3A_96 = tpu.memref_slice %arg17[%add3A_92, %dma_start3A_95] : memref<10016x128xf32, #tpu.memory_space<vmem_shared>> -> memref<64x128xf32, #tpu.memory_space<vmem_shared>>
    tpu.enqueue_dma source(%arg15 : memref<64x128xf32, #tpu.memory_space<vmem>>) target(%dma_start3A_96 : memref<64x128xf32, #tpu.memory_space<vmem_shared>>) target_semaphore(%arg19 : memref<!tpu.dma_semaphore, #tpu.memory_space<semaphore_mem>>)
    %add3A_97 = arith.constant 128 : i32
    %add3A_98 = arith.addi %mul3A_84, %add3A_97 : i32
    %dma_start3A_99 = arith.constant 0 : i32
    %dma_start3A_100 = tpu.memref_slice %arg17[%add3A_98, %dma_start3A_99] : memref<10016x128xf32, #tpu.memory_space<vmem_shared>> -> memref<64x128xf32, #tpu.memory_space<vmem_shared>>
    %dma_start3A_101 = arith.constant 0 : i32
    %dma_start3A_102 = tpu.memref_slice %arg17[%add3A_98, %dma_start3A_101] : memref<10016x128xf32, #tpu.memory_space<vmem_shared>> -> memref<64x128xf32, #tpu.memory_space<vmem_shared>>
    tpu.enqueue_dma source(%arg15 : memref<64x128xf32, #tpu.memory_space<vmem>>) target(%dma_start3A_102 : memref<64x128xf32, #tpu.memory_space<vmem_shared>>) target_semaphore(%arg19 : memref<!tpu.dma_semaphore, #tpu.memory_space<semaphore_mem>>)
    %add3A_103 = arith.constant 192 : i32
    %add3A_104 = arith.addi %mul3A_84, %add3A_103 : i32
    %dma_start3A_105 = arith.constant 0 : i32
    %dma_start3A_106 = tpu.memref_slice %arg17[%add3A_104, %dma_start3A_105] : memref<10016x128xf32, #tpu.memory_space<vmem_shared>> -> memref<64x128xf32, #tpu.memory_space<vmem_shared>>
    %dma_start3A_107 = arith.constant 0 : i32
    %dma_start3A_108 = tpu.memref_slice %arg17[%add3A_104, %dma_start3A_107] : memref<10016x128xf32, #tpu.memory_space<vmem_shared>> -> memref<64x128xf32, #tpu.memory_space<vmem_shared>>
    tpu.enqueue_dma source(%arg15 : memref<64x128xf32, #tpu.memory_space<vmem>>) target(%dma_start3A_108 : memref<64x128xf32, #tpu.memory_space<vmem_shared>>) target_semaphore(%arg19 : memref<!tpu.dma_semaphore, #tpu.memory_space<semaphore_mem>>)
    %add3A_109 = arith.constant 256 : i32
    %add3A_110 = arith.addi %mul3A_84, %add3A_109 : i32
    %dma_start3A_111 = arith.constant 0 : i32
    %dma_start3A_112 = tpu.memref_slice %arg17[%add3A_110, %dma_start3A_111] : memref<10016x128xf32, #tpu.memory_space<vmem_shared>> -> memref<64x128xf32, #tpu.memory_space<vmem_shared>>
    %dma_start3A_113 = arith.constant 0 : i32
    %dma_start3A_114 = tpu.memref_slice %arg17[%add3A_110, %dma_start3A_113] : memref<10016x128xf32, #tpu.memory_space<vmem_shared>> -> memref<64x128xf32, #tpu.memory_space<vmem_shared>>
    tpu.enqueue_dma source(%arg15 : memref<64x128xf32, #tpu.memory_space<vmem>>) target(%dma_start3A_114 : memref<64x128xf32, #tpu.memory_space<vmem_shared>>) target_semaphore(%arg19 : memref<!tpu.dma_semaphore, #tpu.memory_space<semaphore_mem>>)
    %add3A_115 = arith.constant 320 : i32
    %add3A_116 = arith.addi %mul3A_84, %add3A_115 : i32
    %dma_start3A_117 = arith.constant 0 : i32
    %dma_start3A_118 = tpu.memref_slice %arg17[%add3A_116, %dma_start3A_117] : memref<10016x128xf32, #tpu.memory_space<vmem_shared>> -> memref<64x128xf32, #tpu.memory_space<vmem_shared>>
    %dma_start3A_119 = arith.constant 0 : i32
    %dma_start3A_120 = tpu.memref_slice %arg17[%add3A_116, %dma_start3A_119] : memref<10016x128xf32, #tpu.memory_space<vmem_shared>> -> memref<64x128xf32, #tpu.memory_space<vmem_shared>>
    tpu.enqueue_dma source(%arg15 : memref<64x128xf32, #tpu.memory_space<vmem>>) target(%dma_start3A_120 : memref<64x128xf32, #tpu.memory_space<vmem_shared>>) target_semaphore(%arg19 : memref<!tpu.dma_semaphore, #tpu.memory_space<semaphore_mem>>)
    %add3A_121 = arith.constant 384 : i32
    %add3A_122 = arith.addi %mul3A_84, %add3A_121 : i32
    %dma_start3A_123 = arith.constant 0 : i32
    %dma_start3A_124 = tpu.memref_slice %arg17[%add3A_122, %dma_start3A_123] : memref<10016x128xf32, #tpu.memory_space<vmem_shared>> -> memref<64x128xf32, #tpu.memory_space<vmem_shared>>
    %dma_start3A_125 = arith.constant 0 : i32
    %dma_start3A_126 = tpu.memref_slice %arg17[%add3A_122, %dma_start3A_125] : memref<10016x128xf32, #tpu.memory_space<vmem_shared>> -> memref<64x128xf32, #tpu.memory_space<vmem_shared>>
    tpu.enqueue_dma source(%arg15 : memref<64x128xf32, #tpu.memory_space<vmem>>) target(%dma_start3A_126 : memref<64x128xf32, #tpu.memory_space<vmem_shared>>) target_semaphore(%arg19 : memref<!tpu.dma_semaphore, #tpu.memory_space<semaphore_mem>>)
    %add3A_127 = arith.constant 448 : i32
    %add3A_128 = arith.addi %mul3A_84, %add3A_127 : i32
    %dma_start3A_129 = arith.constant 0 : i32
    %dma_start3A_130 = tpu.memref_slice %arg17[%add3A_128, %dma_start3A_129] : memref<10016x128xf32, #tpu.memory_space<vmem_shared>> -> memref<64x128xf32, #tpu.memory_space<vmem_shared>>
    %dma_start3A_131 = arith.constant 0 : i32
    %dma_start3A_132 = tpu.memref_slice %arg17[%add3A_128, %dma_start3A_131] : memref<10016x128xf32, #tpu.memory_space<vmem_shared>> -> memref<64x128xf32, #tpu.memory_space<vmem_shared>>
    tpu.enqueue_dma source(%arg15 : memref<64x128xf32, #tpu.memory_space<vmem>>) target(%dma_start3A_132 : memref<64x128xf32, #tpu.memory_space<vmem_shared>>) target_semaphore(%arg19 : memref<!tpu.dma_semaphore, #tpu.memory_space<semaphore_mem>>)
    %add3A_133 = arith.constant 512 : i32
    %add3A_134 = arith.addi %mul3A_84, %add3A_133 : i32
    %dma_start3A_135 = arith.constant 0 : i32
    %dma_start3A_136 = tpu.memref_slice %arg17[%add3A_134, %dma_start3A_135] : memref<10016x128xf32, #tpu.memory_space<vmem_shared>> -> memref<64x128xf32, #tpu.memory_space<vmem_shared>>
    %dma_start3A_137 = arith.constant 0 : i32
    %dma_start3A_138 = tpu.memref_slice %arg17[%add3A_134, %dma_start3A_137] : memref<10016x128xf32, #tpu.memory_space<vmem_shared>> -> memref<64x128xf32, #tpu.memory_space<vmem_shared>>
    tpu.enqueue_dma source(%arg15 : memref<64x128xf32, #tpu.memory_space<vmem>>) target(%dma_start3A_138 : memref<64x128xf32, #tpu.memory_space<vmem_shared>>) target_semaphore(%arg19 : memref<!tpu.dma_semaphore, #tpu.memory_space<semaphore_mem>>)
    %add3A_139 = arith.constant 576 : i32
    %add3A_140 = arith.addi %mul3A_84, %add3A_139 : i32
    %dma_start3A_141 = arith.constant 0 : i32
    %dma_start3A_142 = arith.constant 0 : i32
    %dma_start3A_143 = tpu.memref_slice %arg15[%dma_start3A_141, %dma_start3A_142] : memref<64x128xf32, #tpu.memory_space<vmem>> -> memref<50x128xf32, #tpu.memory_space<vmem>>
    %dma_start3A_144 = arith.constant 0 : i32
    %dma_start3A_145 = tpu.memref_slice %arg17[%add3A_140, %dma_start3A_144] : memref<10016x128xf32, #tpu.memory_space<vmem_shared>> -> memref<50x128xf32, #tpu.memory_space<vmem_shared>>
    %dma_start3A_146 = arith.constant 0 : i32
    %dma_start3A_147 = tpu.memref_slice %arg17[%add3A_140, %dma_start3A_146] : memref<10016x128xf32, #tpu.memory_space<vmem_shared>> -> memref<50x128xf32, #tpu.memory_space<vmem_shared>>
    %dma_start3A_148 = arith.constant 0 : i32
    %dma_start3A_149 = arith.constant 0 : i32
    %dma_start3A_150 = tpu.memref_slice %arg15[%dma_start3A_148, %dma_start3A_149] : memref<64x128xf32, #tpu.memory_space<vmem>> -> memref<50x128xf32, #tpu.memory_space<vmem>>
    tpu.enqueue_dma source(%dma_start3A_150 : memref<50x128xf32, #tpu.memory_space<vmem>>) target(%dma_start3A_147 : memref<50x128xf32, #tpu.memory_space<vmem_shared>>) target_semaphore(%arg19 : memref<!tpu.dma_semaphore, #tpu.memory_space<semaphore_mem>>)
    %add3A_151 = arith.constant 0 : i32
    %add3A_152 = arith.addi %mul3A_84, %add3A_151 : i32
    %dma_wait3A_153 = arith.constant 0 : i32
    %dma_wait3A_154 = tpu.memref_slice %arg17[%add3A_152, %dma_wait3A_153] : memref<10016x128xf32, #tpu.memory_space<vmem_shared>> -> memref<64x128xf32, #tpu.memory_space<vmem_shared>>
    %dma_wait3A_155 = arith.constant 0 : i32
    %dma_wait3A_156 = tpu.memref_slice %arg17[%add3A_152, %dma_wait3A_155] : memref<10016x128xf32, #tpu.memory_space<vmem_shared>> -> memref<64x128xf32, #tpu.memory_space<vmem_shared>>
    tpu.wait_dma2 semaphore(%arg19 : memref<!tpu.dma_semaphore, #tpu.memory_space<semaphore_mem>>) src(%arg15 : memref<64x128xf32, #tpu.memory_space<vmem>>) dst(%dma_wait3A_156 : memref<64x128xf32, #tpu.memory_space<vmem_shared>>)
    %add3A_157 = arith.constant 64 : i32
    %add3A_158 = arith.addi %mul3A_84, %add3A_157 : i32
    %dma_wait3A_159 = arith.constant 0 : i32
    %dma_wait3A_160 = tpu.memref_slice %arg17[%add3A_158, %dma_wait3A_159] : memref<10016x128xf32, #tpu.memory_space<vmem_shared>> -> memref<64x128xf32, #tpu.memory_space<vmem_shared>>
    %dma_wait3A_161 = arith.constant 0 : i32
    %dma_wait3A_162 = tpu.memref_slice %arg17[%add3A_158, %dma_wait3A_161] : memref<10016x128xf32, #tpu.memory_space<vmem_shared>> -> memref<64x128xf32, #tpu.memory_space<vmem_shared>>
    tpu.wait_dma2 semaphore(%arg19 : memref<!tpu.dma_semaphore, #tpu.memory_space<semaphore_mem>>) src(%arg15 : memref<64x128xf32, #tpu.memory_space<vmem>>) dst(%dma_wait3A_162 : memref<64x128xf32, #tpu.memory_space<vmem_shared>>)
    %add3A_163 = arith.constant 128 : i32
    %add3A_164 = arith.addi %mul3A_84, %add3A_163 : i32
    %dma_wait3A_165 = arith.constant 0 : i32
    %dma_wait3A_166 = tpu.memref_slice %arg17[%add3A_164, %dma_wait3A_165] : memref<10016x128xf32, #tpu.memory_space<vmem_shared>> -> memref<64x128xf32, #tpu.memory_space<vmem_shared>>
    %dma_wait3A_167 = arith.constant 0 : i32
    %dma_wait3A_168 = tpu.memref_slice %arg17[%add3A_164, %dma_wait3A_167] : memref<10016x128xf32, #tpu.memory_space<vmem_shared>> -> memref<64x128xf32, #tpu.memory_space<vmem_shared>>
    tpu.wait_dma2 semaphore(%arg19 : memref<!tpu.dma_semaphore, #tpu.memory_space<semaphore_mem>>) src(%arg15 : memref<64x128xf32, #tpu.memory_space<vmem>>) dst(%dma_wait3A_168 : memref<64x128xf32, #tpu.memory_space<vmem_shared>>)
    %add3A_169 = arith.constant 192 : i32
    %add3A_170 = arith.addi %mul3A_84, %add3A_169 : i32
    %dma_wait3A_171 = arith.constant 0 : i32
    %dma_wait3A_172 = tpu.memref_slice %arg17[%add3A_170, %dma_wait3A_171] : memref<10016x128xf32, #tpu.memory_space<vmem_shared>> -> memref<64x128xf32, #tpu.memory_space<vmem_shared>>
    %dma_wait3A_173 = arith.constant 0 : i32
    %dma_wait3A_174 = tpu.memref_slice %arg17[%add3A_170, %dma_wait3A_173] : memref<10016x128xf32, #tpu.memory_space<vmem_shared>> -> memref<64x128xf32, #tpu.memory_space<vmem_shared>>
    tpu.wait_dma2 semaphore(%arg19 : memref<!tpu.dma_semaphore, #tpu.memory_space<semaphore_mem>>) src(%arg15 : memref<64x128xf32, #tpu.memory_space<vmem>>) dst(%dma_wait3A_174 : memref<64x128xf32, #tpu.memory_space<vmem_shared>>)
    %add3A_175 = arith.constant 256 : i32
    %add3A_176 = arith.addi %mul3A_84, %add3A_175 : i32
    %dma_wait3A_177 = arith.constant 0 : i32
    %dma_wait3A_178 = tpu.memref_slice %arg17[%add3A_176, %dma_wait3A_177] : memref<10016x128xf32, #tpu.memory_space<vmem_shared>> -> memref<64x128xf32, #tpu.memory_space<vmem_shared>>
    %dma_wait3A_179 = arith.constant 0 : i32
    %dma_wait3A_180 = tpu.memref_slice %arg17[%add3A_176, %dma_wait3A_179] : memref<10016x128xf32, #tpu.memory_space<vmem_shared>> -> memref<64x128xf32, #tpu.memory_space<vmem_shared>>
    tpu.wait_dma2 semaphore(%arg19 : memref<!tpu.dma_semaphore, #tpu.memory_space<semaphore_mem>>) src(%arg15 : memref<64x128xf32, #tpu.memory_space<vmem>>) dst(%dma_wait3A_180 : memref<64x128xf32, #tpu.memory_space<vmem_shared>>)
    %add3A_181 = arith.constant 320 : i32
    %add3A_182 = arith.addi %mul3A_84, %add3A_181 : i32
    %dma_wait3A_183 = arith.constant 0 : i32
    %dma_wait3A_184 = tpu.memref_slice %arg17[%add3A_182, %dma_wait3A_183] : memref<10016x128xf32, #tpu.memory_space<vmem_shared>> -> memref<64x128xf32, #tpu.memory_space<vmem_shared>>
    %dma_wait3A_185 = arith.constant 0 : i32
    %dma_wait3A_186 = tpu.memref_slice %arg17[%add3A_182, %dma_wait3A_185] : memref<10016x128xf32, #tpu.memory_space<vmem_shared>> -> memref<64x128xf32, #tpu.memory_space<vmem_shared>>
    tpu.wait_dma2 semaphore(%arg19 : memref<!tpu.dma_semaphore, #tpu.memory_space<semaphore_mem>>) src(%arg15 : memref<64x128xf32, #tpu.memory_space<vmem>>) dst(%dma_wait3A_186 : memref<64x128xf32, #tpu.memory_space<vmem_shared>>)
    %add3A_187 = arith.constant 384 : i32
    %add3A_188 = arith.addi %mul3A_84, %add3A_187 : i32
    %dma_wait3A_189 = arith.constant 0 : i32
    %dma_wait3A_190 = tpu.memref_slice %arg17[%add3A_188, %dma_wait3A_189] : memref<10016x128xf32, #tpu.memory_space<vmem_shared>> -> memref<64x128xf32, #tpu.memory_space<vmem_shared>>
    %dma_wait3A_191 = arith.constant 0 : i32
    %dma_wait3A_192 = tpu.memref_slice %arg17[%add3A_188, %dma_wait3A_191] : memref<10016x128xf32, #tpu.memory_space<vmem_shared>> -> memref<64x128xf32, #tpu.memory_space<vmem_shared>>
    tpu.wait_dma2 semaphore(%arg19 : memref<!tpu.dma_semaphore, #tpu.memory_space<semaphore_mem>>) src(%arg15 : memref<64x128xf32, #tpu.memory_space<vmem>>) dst(%dma_wait3A_192 : memref<64x128xf32, #tpu.memory_space<vmem_shared>>)
    %add3A_193 = arith.constant 448 : i32
    %add3A_194 = arith.addi %mul3A_84, %add3A_193 : i32
    %dma_wait3A_195 = arith.constant 0 : i32
    %dma_wait3A_196 = tpu.memref_slice %arg17[%add3A_194, %dma_wait3A_195] : memref<10016x128xf32, #tpu.memory_space<vmem_shared>> -> memref<64x128xf32, #tpu.memory_space<vmem_shared>>
    %dma_wait3A_197 = arith.constant 0 : i32
    %dma_wait3A_198 = tpu.memref_slice %arg17[%add3A_194, %dma_wait3A_197] : memref<10016x128xf32, #tpu.memory_space<vmem_shared>> -> memref<64x128xf32, #tpu.memory_space<vmem_shared>>
    tpu.wait_dma2 semaphore(%arg19 : memref<!tpu.dma_semaphore, #tpu.memory_space<semaphore_mem>>) src(%arg15 : memref<64x128xf32, #tpu.memory_space<vmem>>) dst(%dma_wait3A_198 : memref<64x128xf32, #tpu.memory_space<vmem_shared>>)
    %add3A_199 = arith.constant 512 : i32
    %add3A_200 = arith.addi %mul3A_84, %add3A_199 : i32
    %dma_wait3A_201 = arith.constant 0 : i32
    %dma_wait3A_202 = tpu.memref_slice %arg17[%add3A_200, %dma_wait3A_201] : memref<10016x128xf32, #tpu.memory_space<vmem_shared>> -> memref<64x128xf32, #tpu.memory_space<vmem_shared>>
    %dma_wait3A_203 = arith.constant 0 : i32
    %dma_wait3A_204 = tpu.memref_slice %arg17[%add3A_200, %dma_wait3A_203] : memref<10016x128xf32, #tpu.memory_space<vmem_shared>> -> memref<64x128xf32, #tpu.memory_space<vmem_shared>>
    tpu.wait_dma2 semaphore(%arg19 : memref<!tpu.dma_semaphore, #tpu.memory_space<semaphore_mem>>) src(%arg15 : memref<64x128xf32, #tpu.memory_space<vmem>>) dst(%dma_wait3A_204 : memref<64x128xf32, #tpu.memory_space<vmem_shared>>)
    %add3A_205 = arith.constant 576 : i32
    %add3A_206 = arith.addi %mul3A_84, %add3A_205 : i32
    %dma_wait3A_207 = arith.constant 0 : i32
    %dma_wait3A_208 = arith.constant 0 : i32
    %dma_wait3A_209 = tpu.memref_slice %arg15[%dma_wait3A_207, %dma_wait3A_208] : memref<64x128xf32, #tpu.memory_space<vmem>> -> memref<50x128xf32, #tpu.memory_space<vmem>>
    %dma_wait3A_210 = arith.constant 0 : i32
    %dma_wait3A_211 = tpu.memref_slice %arg17[%add3A_206, %dma_wait3A_210] : memref<10016x128xf32, #tpu.memory_space<vmem_shared>> -> memref<50x128xf32, #tpu.memory_space<vmem_shared>>
    %dma_wait3A_212 = arith.constant 0 : i32
    %dma_wait3A_213 = tpu.memref_slice %arg17[%add3A_206, %dma_wait3A_212] : memref<10016x128xf32, #tpu.memory_space<vmem_shared>> -> memref<50x128xf32, #tpu.memory_space<vmem_shared>>
    %dma_wait3A_214 = arith.constant 0 : i32
    %dma_wait3A_215 = arith.constant 0 : i32
    %dma_wait3A_216 = tpu.memref_slice %arg15[%dma_wait3A_214, %dma_wait3A_215] : memref<64x128xf32, #tpu.memory_space<vmem>> -> memref<50x128xf32, #tpu.memory_space<vmem>>
    tpu.wait_dma2 semaphore(%arg19 : memref<!tpu.dma_semaphore, #tpu.memory_space<semaphore_mem>>) src(%dma_wait3A_216 : memref<50x128xf32, #tpu.memory_space<vmem>>) dst(%dma_wait3A_213 : memref<50x128xf32, #tpu.memory_space<vmem_shared>>)
    %get3A = arith.constant 0 : index
    %get3A_217 = tpu.vector_load %arg11[%get3A] {strides = array<i32>} : memref<16xf32, #tpu.memory_space<vmem>>, vector<16xf32>,
    %scan3A_218 = arith.constant 0 : i32
    %scan3A_219 = arith.constant 0 : i32
    %scan3A_220 = arith.constant 156 : i32
    %scan3A_221 = arith.addi %scan3A_219, %scan3A_220 : i32
    %scan3A_222 = arith.constant 1 : i32
    %scan3A_223 = scf.for %scan3A_367 = %scan3A_219 to %scan3A_221 step %scan3A_222 iter_args(%scan3A_368 = %scan3A_218) -> (i32)  : i32 {
      %mul3A_369 = arith.constant 4 : i32
      %mul3A_370 = arith.muli %scan3A_367, %mul3A_369 : i32
      %add3A_371 = arith.constant 0 : i32
      %add3A_372 = arith.addi %mul3A_370, %add3A_371 : i32
      %mul3A_373 = arith.constant 16 : i32
      %mul3A_374 = arith.muli %add3A_372, %mul3A_373 : i32
      %get3A_375 = arith.index_cast %mul3A_374 : i32 to index
      %get3A_376 = tpu.vector_load %arg10[%get3A_375] {strides = array<i32>} : memref<10000xf32, #tpu.memory_space<vmem>>, vector<16xf32>,
      %get3A_377 = arith.index_cast %mul3A_374 : i32 to index
      %get3A_378 = tpu.vector_load %arg8[%get3A_377] {strides = array<i32>} : memref<10096xi32, #tpu.memory_space<vmem>>, vector<16xi32>,
      %get3A_379 = arith.index_cast %mul3A_374 : i32 to index
      %get3A_380 = tpu.vector_load %arg9[%get3A_379] {strides = array<i32>} : memref<10096xi32, #tpu.memory_space<vmem>>, vector<16xi32>,
      %bitcast3A_381 = vector.bitcast %get3A_376 : vector<16xf32> to vector<16xi32>
      %ge3A_382 = arith.constant 0 : i32
      %ge3A_383 = vector.broadcast %ge3A_382 : i32 to vector<16xi32>
      %ge3A_384 = arith.cmpi sge, %bitcast3A_381, %ge3A_383 : vector<16xi32>
      %abs3A_385 = math.absf %get3A_376 : vector<16xf32>
      %lt3A_386 = arith.cmpf olt, %abs3A_385, %get3A_217 : vector<16xf32>
      %and3A_387 = arith.andi %ge3A_384, %lt3A_386 : vector<16xi1>
      %convert_element_type3A_388 = arith.extui %and3A_387 : vector<16xi1> to vector<16xi32>
      %reduce_sum3A_389 = arith.constant true
      %reduce_sum3A_390 = vector.broadcast %reduce_sum3A_389 : i1 to vector<16xi1>
      %reduce_sum3A_391 = tpu.scan <sum>, %convert_element_type3A_388 masked %reduce_sum3A_390 : vector<16xi32>, vector<16xi1> -> vector<16xi32>
      %reduce_sum3A_392 = vector.extract %reduce_sum3A_391[15] : i32 from vector<16xi32>
      %mul3A_393 = arith.constant 4 : i32
      %mul3A_394 = arith.muli %scan3A_367, %mul3A_393 : i32
      %add3A_395 = arith.constant 1 : i32
      %add3A_396 = arith.addi %mul3A_394, %add3A_395 : i32
      %mul3A_397 = arith.constant 16 : i32
      %mul3A_398 = arith.muli %add3A_396, %mul3A_397 : i32
      %get3A_399 = arith.index_cast %mul3A_398 : i32 to index
      %get3A_400 = tpu.vector_load %arg10[%get3A_399] {strides = array<i32>} : memref<10000xf32, #tpu.memory_space<vmem>>, vector<16xf32>,
      %get3A_401 = arith.index_cast %mul3A_398 : i32 to index
      %get3A_402 = tpu.vector_load %arg8[%get3A_401] {strides = array<i32>} : memref<10096xi32, #tpu.memory_space<vmem>>, vector<16xi32>,
      %get3A_403 = arith.index_cast %mul3A_398 : i32 to index
      %get3A_404 = tpu.vector_load %arg9[%get3A_403] {strides = array<i32>} : memref<10096xi32, #tpu.memory_space<vmem>>, vector<16xi32>,
      %bitcast3A_405 = vector.bitcast %get3A_400 : vector<16xf32> to vector<16xi32>
      %ge3A_406 = arith.constant 0 : i32
      %ge3A_407 = vector.broadcast %ge3A_406 : i32 to vector<16xi32>
      %ge3A_408 = arith.cmpi sge, %bitcast3A_405, %ge3A_407 : vector<16xi32>
      %abs3A_409 = math.absf %get3A_400 : vector<16xf32>
      %lt3A_410 = arith.cmpf olt, %abs3A_409, %get3A_217 : vector<16xf32>
      %and3A_411 = arith.andi %ge3A_408, %lt3A_410 : vector<16xi1>
      %convert_element_type3A_412 = arith.extui %and3A_411 : vector<16xi1> to vector<16xi32>
      %reduce_sum3A_413 = arith.constant true
      %reduce_sum3A_414 = vector.broadcast %reduce_sum3A_413 : i1 to vector<16xi1>
      %reduce_sum3A_415 = tpu.scan <sum>, %convert_element_type3A_412 masked %reduce_sum3A_414 : vector<16xi32>, vector<16xi1> -> vector<16xi32>
      %reduce_sum3A_416 = vector.extract %reduce_sum3A_415[15] : i32 from vector<16xi32>
      %mul3A_417 = arith.constant 4 : i32
      %mul3A_418 = arith.muli %scan3A_367, %mul3A_417 : i32
      %add3A_419 = arith.constant 2 : i32
      %add3A_420 = arith.addi %mul3A_418, %add3A_419 : i32
      %mul3A_421 = arith.constant 16 : i32
      %mul3A_422 = arith.muli %add3A_420, %mul3A_421 : i32
      %get3A_423 = arith.index_cast %mul3A_422 : i32 to index
      %get3A_424 = tpu.vector_load %arg10[%get3A_423] {strides = array<i32>} : memref<10000xf32, #tpu.memory_space<vmem>>, vector<16xf32>,
      %get3A_425 = arith.index_cast %mul3A_422 : i32 to index
      %get3A_426 = tpu.vector_load %arg8[%get3A_425] {strides = array<i32>} : memref<10096xi32, #tpu.memory_space<vmem>>, vector<16xi32>,
      %get3A_427 = arith.index_cast %mul3A_422 : i32 to index
      %get3A_428 = tpu.vector_load %arg9[%get3A_427] {strides = array<i32>} : memref<10096xi32, #tpu.memory_space<vmem>>, vector<16xi32>,
      %bitcast3A_429 = vector.bitcast %get3A_424 : vector<16xf32> to vector<16xi32>
      %ge3A_430 = arith.constant 0 : i32
      %ge3A_431 = vector.broadcast %ge3A_430 : i32 to vector<16xi32>
      %ge3A_432 = arith.cmpi sge, %bitcast3A_429, %ge3A_431 : vector<16xi32>
      %abs3A_433 = math.absf %get3A_424 : vector<16xf32>
      %lt3A_434 = arith.cmpf olt, %abs3A_433, %get3A_217 : vector<16xf32>
      %and3A_435 = arith.andi %ge3A_432, %lt3A_434 : vector<16xi1>
      %convert_element_type3A_436 = arith.extui %and3A_435 : vector<16xi1> to vector<16xi32>
      %reduce_sum3A_437 = arith.constant true
      %reduce_sum3A_438 = vector.broadcast %reduce_sum3A_437 : i1 to vector<16xi1>
      %reduce_sum3A_439 = tpu.scan <sum>, %convert_element_type3A_436 masked %reduce_sum3A_438 : vector<16xi32>, vector<16xi1> -> vector<16xi32>
      %reduce_sum3A_440 = vector.extract %reduce_sum3A_439[15] : i32 from vector<16xi32>
      %mul3A_441 = arith.constant 4 : i32
      %mul3A_442 = arith.muli %scan3A_367, %mul3A_441 : i32
      %add3A_443 = arith.constant 3 : i32
      %add3A_444 = arith.addi %mul3A_442, %add3A_443 : i32
      %mul3A_445 = arith.constant 16 : i32
      %mul3A_446 = arith.muli %add3A_444, %mul3A_445 : i32
      %get3A_447 = arith.index_cast %mul3A_446 : i32 to index
      %get3A_448 = tpu.vector_load %arg10[%get3A_447] {strides = array<i32>} : memref<10000xf32, #tpu.memory_space<vmem>>, vector<16xf32>,
      %get3A_449 = arith.index_cast %mul3A_446 : i32 to index
      %get3A_450 = tpu.vector_load %arg8[%get3A_449] {strides = array<i32>} : memref<10096xi32, #tpu.memory_space<vmem>>, vector<16xi32>,
      %get3A_451 = arith.index_cast %mul3A_446 : i32 to index
      %get3A_452 = tpu.vector_load %arg9[%get3A_451] {strides = array<i32>} : memref<10096xi32, #tpu.memory_space<vmem>>, vector<16xi32>,
      %bitcast3A_453 = vector.bitcast %get3A_448 : vector<16xf32> to vector<16xi32>
      %ge3A_454 = arith.constant 0 : i32
      %ge3A_455 = vector.broadcast %ge3A_454 : i32 to vector<16xi32>
      %ge3A_456 = arith.cmpi sge, %bitcast3A_453, %ge3A_455 : vector<16xi32>
      %abs3A_457 = math.absf %get3A_448 : vector<16xf32>
      %lt3A_458 = arith.cmpf olt, %abs3A_457, %get3A_217 : vector<16xf32>
      %and3A_459 = arith.andi %ge3A_456, %lt3A_458 : vector<16xi1>
      %convert_element_type3A_460 = arith.extui %and3A_459 : vector<16xi1> to vector<16xi32>
      %reduce_sum3A_461 = arith.constant true
      %reduce_sum3A_462 = vector.broadcast %reduce_sum3A_461 : i1 to vector<16xi1>
      %reduce_sum3A_463 = tpu.scan <sum>, %convert_element_type3A_460 masked %reduce_sum3A_462 : vector<16xi32>, vector<16xi1> -> vector<16xi32>
      %reduce_sum3A_464 = vector.extract %reduce_sum3A_463[15] : i32 from vector<16xi32>
      %swap3A_465 = arith.index_cast %scan3A_368 : i32 to index
      %swap3A_466 = tpu.vector_load %arg8[%swap3A_465] masked %and3A_387 {strides = array<i32>} : memref<10096xi32, #tpu.memory_space<vmem>>, vector<16xi32>, vector<16xi1>
      tpu.vector_store %arg8[%swap3A_465], %get3A_378 masked %and3A_387 {strides = array<i32>} : memref<10096xi32, #tpu.memory_space<vmem>>, vector<16xi32>, vector<16xi1>
      %swap3A_467 = arith.index_cast %scan3A_368 : i32 to index
      %swap3A_468 = tpu.vector_load %arg9[%swap3A_467] masked %and3A_387 {strides = array<i32>} : memref<10096xi32, #tpu.memory_space<vmem>>, vector<16xi32>, vector<16xi1>
      tpu.vector_store %arg9[%swap3A_467], %get3A_380 masked %and3A_387 {strides = array<i32>} : memref<10096xi32, #tpu.memory_space<vmem>>, vector<16xi32>, vector<16xi1>
      %add3A_469 = arith.addi %scan3A_368, %reduce_sum3A_392 : i32
      %swap3A_470 = arith.index_cast %add3A_469 : i32 to index
      %swap3A_471 = tpu.vector_load %arg8[%swap3A_470] masked %and3A_411 {strides = array<i32>} : memref<10096xi32, #tpu.memory_space<vmem>>, vector<16xi32>, vector<16xi1>
      tpu.vector_store %arg8[%swap3A_470], %get3A_402 masked %and3A_411 {strides = array<i32>} : memref<10096xi32, #tpu.memory_space<vmem>>, vector<16xi32>, vector<16xi1>
      %swap3A_472 = arith.index_cast %add3A_469 : i32 to index
      %swap3A_473 = tpu.vector_load %arg9[%swap3A_472] masked %and3A_411 {strides = array<i32>} : memref<10096xi32, #tpu.memory_space<vmem>>, vector<16xi32>, vector<16xi1>
      tpu.vector_store %arg9[%swap3A_472], %get3A_404 masked %and3A_411 {strides = array<i32>} : memref<10096xi32, #tpu.memory_space<vmem>>, vector<16xi32>, vector<16xi1>
      %add3A_474 = arith.addi %add3A_469, %reduce_sum3A_416 : i32
      %swap3A_475 = arith.index_cast %add3A_474 : i32 to index
      %swap3A_476 = tpu.vector_load %arg8[%swap3A_475] masked %and3A_435 {strides = array<i32>} : memref<10096xi32, #tpu.memory_space<vmem>>, vector<16xi32>, vector<16xi1>
      tpu.vector_store %arg8[%swap3A_475], %get3A_426 masked %and3A_435 {strides = array<i32>} : memref<10096xi32, #tpu.memory_space<vmem>>, vector<16xi32>, vector<16xi1>
      %swap3A_477 = arith.index_cast %add3A_474 : i32 to index
      %swap3A_478 = tpu.vector_load %arg9[%swap3A_477] masked %and3A_435 {strides = array<i32>} : memref<10096xi32, #tpu.memory_space<vmem>>, vector<16xi32>, vector<16xi1>
      tpu.vector_store %arg9[%swap3A_477], %get3A_428 masked %and3A_435 {strides = array<i32>} : memref<10096xi32, #tpu.memory_space<vmem>>, vector<16xi32>, vector<16xi1>
      %add3A_479 = arith.addi %add3A_474, %reduce_sum3A_440 : i32
      %swap3A_480 = arith.index_cast %add3A_479 : i32 to index
      %swap3A_481 = tpu.vector_load %arg8[%swap3A_480] masked %and3A_459 {strides = array<i32>} : memref<10096xi32, #tpu.memory_space<vmem>>, vector<16xi32>, vector<16xi1>
      tpu.vector_store %arg8[%swap3A_480], %get3A_450 masked %and3A_459 {strides = array<i32>} : memref<10096xi32, #tpu.memory_space<vmem>>, vector<16xi32>, vector<16xi1>
      %swap3A_482 = arith.index_cast %add3A_479 : i32 to index
      %swap3A_483 = tpu.vector_load %arg9[%swap3A_482] masked %and3A_459 {strides = array<i32>} : memref<10096xi32, #tpu.memory_space<vmem>>, vector<16xi32>, vector<16xi1>
      tpu.vector_store %arg9[%swap3A_482], %get3A_452 masked %and3A_459 {strides = array<i32>} : memref<10096xi32, #tpu.memory_space<vmem>>, vector<16xi32>, vector<16xi1>
      %add3A_484 = arith.addi %add3A_479, %reduce_sum3A_464 : i32
      scf.yield %add3A_484 : i32
    }
    %scan3A_224 = arith.constant 156 : i32
    %get3A_225 = arith.constant 9984 : index
    %get3A_226 = tpu.vector_load %arg10[%get3A_225] {strides = array<i32>} : memref<10000xf32, #tpu.memory_space<vmem>>, vector<16xf32>,
    %get3A_227 = arith.constant 9984 : index
    %get3A_228 = tpu.vector_load %arg8[%get3A_227] {strides = array<i32>} : memref<10096xi32, #tpu.memory_space<vmem>>, vector<16xi32>,
    %get3A_229 = arith.constant 9984 : index
    %get3A_230 = tpu.vector_load %arg9[%get3A_229] {strides = array<i32>} : memref<10096xi32, #tpu.memory_space<vmem>>, vector<16xi32>,
    %bitcast3A = vector.bitcast %get3A_226 : vector<16xf32> to vector<16xi32>
    %ge3A = arith.constant 0 : i32
    %ge3A_231 = vector.broadcast %ge3A : i32 to vector<16xi32>
    %ge3A_232 = arith.cmpi sge, %bitcast3A, %ge3A_231 : vector<16xi32>
    %abs3A = math.absf %get3A_226 : vector<16xf32>
    %lt3A = arith.cmpf olt, %abs3A, %get3A_217 : vector<16xf32>
    %and3A = arith.andi %ge3A_232, %lt3A : vector<16xi1>
    %convert_element_type3A = arith.extui %and3A : vector<16xi1> to vector<16xi32>
    %reduce_sum3A = arith.constant true
    %reduce_sum3A_233 = vector.broadcast %reduce_sum3A : i1 to vector<16xi1>
    %reduce_sum3A_234 = tpu.scan <sum>, %convert_element_type3A masked %reduce_sum3A_233 : vector<16xi32>, vector<16xi1> -> vector<16xi32>
    %reduce_sum3A_235 = vector.extract %reduce_sum3A_234[15] : i32 from vector<16xi32>
    %swap3A = arith.index_cast %scan3A_223 : i32 to index
    %swap3A_236 = tpu.vector_load %arg8[%swap3A] masked %and3A {strides = array<i32>} : memref<10096xi32, #tpu.memory_space<vmem>>, vector<16xi32>, vector<16xi1>
    tpu.vector_store %arg8[%swap3A], %get3A_228 masked %and3A {strides = array<i32>} : memref<10096xi32, #tpu.memory_space<vmem>>, vector<16xi32>, vector<16xi1>
    %swap3A_237 = arith.index_cast %scan3A_223 : i32 to index
    %swap3A_238 = tpu.vector_load %arg9[%swap3A_237] masked %and3A {strides = array<i32>} : memref<10096xi32, #tpu.memory_space<vmem>>, vector<16xi32>, vector<16xi1>
    tpu.vector_store %arg9[%swap3A_237], %get3A_230 masked %and3A {strides = array<i32>} : memref<10096xi32, #tpu.memory_space<vmem>>, vector<16xi32>, vector<16xi1>
    %add3A_239 = arith.addi %scan3A_223, %reduce_sum3A_235 : i32
    %broadcast_in_dim3A = arith.constant 0 : i32
    %broadcast_in_dim3A_240 = vector.broadcast %broadcast_in_dim3A : i32 to vector<16xi32>
    %add3A_241 = arith.constant 0 : i32
    %add3A_242 = arith.addi %add3A_239, %add3A_241 : i32
    %swap3A_243 = arith.index_cast %add3A_242 : i32 to index
    %swap3A_244 = tpu.vector_load %arg8[%swap3A_243] {strides = array<i32>} : memref<10096xi32, #tpu.memory_space<vmem>>, vector<16xi32>,
    tpu.vector_store %arg8[%swap3A_243], %broadcast_in_dim3A_240 {strides = array<i32>} : memref<10096xi32, #tpu.memory_space<vmem>>, vector<16xi32>,
    %broadcast_in_dim3A_245 = arith.constant 10000 : i32
    %broadcast_in_dim3A_246 = vector.broadcast %broadcast_in_dim3A_245 : i32 to vector<16xi32>
    %add3A_247 = arith.constant 0 : i32
    %add3A_248 = arith.addi %add3A_239, %add3A_247 : i32
    %swap3A_249 = arith.index_cast %add3A_248 : i32 to index
    %swap3A_250 = tpu.vector_load %arg9[%swap3A_249] {strides = array<i32>} : memref<10096xi32, #tpu.memory_space<vmem>>, vector<16xi32>,
    tpu.vector_store %arg9[%swap3A_249], %broadcast_in_dim3A_246 {strides = array<i32>} : memref<10096xi32, #tpu.memory_space<vmem>>, vector<16xi32>,
    %broadcast_in_dim3A_251 = arith.constant 0 : i32
    %broadcast_in_dim3A_252 = vector.broadcast %broadcast_in_dim3A_251 : i32 to vector<16xi32>
    %add3A_253 = arith.constant 16 : i32
    %add3A_254 = arith.addi %add3A_239, %add3A_253 : i32
    %swap3A_255 = arith.index_cast %add3A_254 : i32 to index
    %swap3A_256 = tpu.vector_load %arg8[%swap3A_255] {strides = array<i32>} : memref<10096xi32, #tpu.memory_space<vmem>>, vector<16xi32>,
    tpu.vector_store %arg8[%swap3A_255], %broadcast_in_dim3A_252 {strides = array<i32>} : memref<10096xi32, #tpu.memory_space<vmem>>, vector<16xi32>,
    %broadcast_in_dim3A_257 = arith.constant 10000 : i32
    %broadcast_in_dim3A_258 = vector.broadcast %broadcast_in_dim3A_257 : i32 to vector<16xi32>
    %add3A_259 = arith.constant 16 : i32
    %add3A_260 = arith.addi %add3A_239, %add3A_259 : i32
    %swap3A_261 = arith.index_cast %add3A_260 : i32 to index
    %swap3A_262 = tpu.vector_load %arg9[%swap3A_261] {strides = array<i32>} : memref<10096xi32, #tpu.memory_space<vmem>>, vector<16xi32>,
    tpu.vector_store %arg9[%swap3A_261], %broadcast_in_dim3A_258 {strides = array<i32>} : memref<10096xi32, #tpu.memory_space<vmem>>, vector<16xi32>,
    %broadcast_in_dim3A_263 = arith.constant 0 : i32
    %broadcast_in_dim3A_264 = vector.broadcast %broadcast_in_dim3A_263 : i32 to vector<16xi32>
    %add3A_265 = arith.constant 32 : i32
    %add3A_266 = arith.addi %add3A_239, %add3A_265 : i32
    %swap3A_267 = arith.index_cast %add3A_266 : i32 to index
    %swap3A_268 = tpu.vector_load %arg8[%swap3A_267] {strides = array<i32>} : memref<10096xi32, #tpu.memory_space<vmem>>, vector<16xi32>,
    tpu.vector_store %arg8[%swap3A_267], %broadcast_in_dim3A_264 {strides = array<i32>} : memref<10096xi32, #tpu.memory_space<vmem>>, vector<16xi32>,
    %broadcast_in_dim3A_269 = arith.constant 10000 : i32
    %broadcast_in_dim3A_270 = vector.broadcast %broadcast_in_dim3A_269 : i32 to vector<16xi32>
    %add3A_271 = arith.constant 32 : i32
    %add3A_272 = arith.addi %add3A_239, %add3A_271 : i32
    %swap3A_273 = arith.index_cast %add3A_272 : i32 to index
    %swap3A_274 = tpu.vector_load %arg9[%swap3A_273] {strides = array<i32>} : memref<10096xi32, #tpu.memory_space<vmem>>, vector<16xi32>,
    tpu.vector_store %arg9[%swap3A_273], %broadcast_in_dim3A_270 {strides = array<i32>} : memref<10096xi32, #tpu.memory_space<vmem>>, vector<16xi32>,
    %broadcast_in_dim3A_275 = arith.constant 0 : i32
    %broadcast_in_dim3A_276 = vector.broadcast %broadcast_in_dim3A_275 : i32 to vector<16xi32>
    %add3A_277 = arith.constant 48 : i32
    %add3A_278 = arith.addi %add3A_239, %add3A_277 : i32
    %swap3A_279 = arith.index_cast %add3A_278 : i32 to index
    %swap3A_280 = tpu.vector_load %arg8[%swap3A_279] {strides = array<i32>} : memref<10096xi32, #tpu.memory_space<vmem>>, vector<16xi32>,
    tpu.vector_store %arg8[%swap3A_279], %broadcast_in_dim3A_276 {strides = array<i32>} : memref<10096xi32, #tpu.memory_space<vmem>>, vector<16xi32>,
    %broadcast_in_dim3A_281 = arith.constant 10000 : i32
    %broadcast_in_dim3A_282 = vector.broadcast %broadcast_in_dim3A_281 : i32 to vector<16xi32>
    %add3A_283 = arith.constant 48 : i32
    %add3A_284 = arith.addi %add3A_239, %add3A_283 : i32
    %swap3A_285 = arith.index_cast %add3A_284 : i32 to index
    %swap3A_286 = tpu.vector_load %arg9[%swap3A_285] {strides = array<i32>} : memref<10096xi32, #tpu.memory_space<vmem>>, vector<16xi32>,
    tpu.vector_store %arg9[%swap3A_285], %broadcast_in_dim3A_282 {strides = array<i32>} : memref<10096xi32, #tpu.memory_space<vmem>>, vector<16xi32>,
    %broadcast_in_dim3A_287 = arith.constant 0 : i32
    %broadcast_in_dim3A_288 = vector.broadcast %broadcast_in_dim3A_287 : i32 to vector<16xi32>
    %add3A_289 = arith.constant 64 : i32
    %add3A_290 = arith.addi %add3A_239, %add3A_289 : i32
    %swap3A_291 = arith.index_cast %add3A_290 : i32 to index
    %swap3A_292 = tpu.vector_load %arg8[%swap3A_291] {strides = array<i32>} : memref<10096xi32, #tpu.memory_space<vmem>>, vector<16xi32>,
    tpu.vector_store %arg8[%swap3A_291], %broadcast_in_dim3A_288 {strides = array<i32>} : memref<10096xi32, #tpu.memory_space<vmem>>, vector<16xi32>,
    %broadcast_in_dim3A_293 = arith.constant 10000 : i32
    %broadcast_in_dim3A_294 = vector.broadcast %broadcast_in_dim3A_293 : i32 to vector<16xi32>
    %add3A_295 = arith.constant 64 : i32
    %add3A_296 = arith.addi %add3A_239, %add3A_295 : i32
    %swap3A_297 = arith.index_cast %add3A_296 : i32 to index
    %swap3A_298 = tpu.vector_load %arg9[%swap3A_297] {strides = array<i32>} : memref<10096xi32, #tpu.memory_space<vmem>>, vector<16xi32>,
    tpu.vector_store %arg9[%swap3A_297], %broadcast_in_dim3A_294 {strides = array<i32>} : memref<10096xi32, #tpu.memory_space<vmem>>, vector<16xi32>,
    %barrier3A = arith.constant 0 : index
    tpu.barrier barrier_id(%barrier3A)
    %add3A_299 = arith.constant 64 : i32
    %add3A_300 = arith.addi %add3A_239, %add3A_299 : i32
    %sub3A = arith.constant 1 : i32
    %sub3A_301 = arith.subi %add3A_300, %sub3A : i32
    %jit3A = arith.constant 64 : i32
    %div3A = arith.divsi %sub3A_301, %jit3A : i32
    %sign3A = arith.constant 0 : i32
    %sign3A_302 = arith.cmpi sgt, %sub3A_301, %sign3A : i32
    %sign3A_303 = arith.extui %sign3A_302 : i1 to i32
    %sign3A_304 = arith.constant 0 : i32
    %sign3A_305 = arith.cmpi slt, %sub3A_301, %sign3A_304 : i32
    %sign3A_306 = arith.extui %sign3A_305 : i1 to i32
    %sign3A_307 = arith.subi %sign3A_303, %sign3A_306 : i32
    %sign3A_308 = arith.constant 0 : i32
    %sign3A_309 = arith.cmpi sgt, %jit3A, %sign3A_308 : i32
    %sign3A_310 = arith.extui %sign3A_309 : i1 to i32
    %sign3A_311 = arith.constant 0 : i32
    %sign3A_312 = arith.cmpi slt, %jit3A, %sign3A_311 : i32
    %sign3A_313 = arith.extui %sign3A_312 : i1 to i32
    %sign3A_314 = arith.subi %sign3A_310, %sign3A_313 : i32
    %ne3A = arith.cmpi ne, %sign3A_307, %sign3A_314 : i32
    %rem3A = arith.remsi %sub3A_301, %jit3A : i32
    %ne3A_315 = arith.constant 0 : i32
    %ne3A_316 = arith.cmpi ne, %rem3A, %ne3A_315 : i32
    %and3A_317 = arith.andi %ne3A, %ne3A_316 : i1
    %sub3A_318 = arith.constant 1 : i32
    %sub3A_319 = arith.subi %div3A, %sub3A_318 : i32
    %select_n3A = arith.select %and3A_317, %sub3A_319, %div3A : i32
    %gt3A = arith.constant 0 : i32
    %gt3A_320 = arith.cmpi sgt, %select_n3A, %gt3A : i32
    %convert_element_type3A_321 = arith.extui %gt3A_320 : i1 to i32
    %cond3A = arith.constant 0 : i32
    %cond3A_322 = arith.cmpi ne, %convert_element_type3A_321, %cond3A : i32
    scf.if %cond3A_322 {
      %dma_start3A_367 = arith.constant 0 : i32
      %dma_start3A_368 = tpu.memref_slice %arg8[%dma_start3A_367] : memref<10096xi32, #tpu.memory_space<vmem>> -> memref<64xi32, #tpu.memory_space<vmem>>
      %dma_start3A_369 = arith.constant 0 : i32
      %dma_start3A_370 = arith.constant 0 : i32
      %dma_start3A_371 = tpu.memref_slice %arg6[%dma_start3A_369, %dma_start3A_370] : memref<10000x128xf32, #tpu.memory_space<hbm>> -> memref<10000x128xf32, #tpu.memory_space<hbm>>
      tpu.enqueue_indirect_dma source(%dma_start3A_371 : memref<10000x128xf32, #tpu.memory_space<hbm>>) target(%arg15 : memref<64x128xf32, #tpu.memory_space<vmem>>) offsets(%dma_start3A_368 : memref<64xi32, #tpu.memory_space<vmem>>) semaphore(%arg18 : memref<!tpu.dma_semaphore, #tpu.memory_space<semaphore_mem>>)
    } else {
    }
    %add3A_323 = arith.constant 1 : i32
    %add3A_324 = arith.addi %select_n3A, %add3A_323 : i32
    %jit3A_325 = arith.constant 2 : i32
    %div3A_326 = arith.divsi %add3A_324, %jit3A_325 : i32
    %sign3A_327 = arith.constant 0 : i32
    %sign3A_328 = arith.cmpi sgt, %add3A_324, %sign3A_327 : i32
    %sign3A_329 = arith.extui %sign3A_328 : i1 to i32
    %sign3A_330 = arith.constant 0 : i32
    %sign3A_331 = arith.cmpi slt, %add3A_324, %sign3A_330 : i32
    %sign3A_332 = arith.extui %sign3A_331 : i1 to i32
    %sign3A_333 = arith.subi %sign3A_329, %sign3A_332 : i32
    %sign3A_334 = arith.constant 0 : i32
    %sign3A_335 = arith.cmpi sgt, %jit3A_325, %sign3A_334 : i32
    %sign3A_336 = arith.extui %sign3A_335 : i1 to i32
    %sign3A_337 = arith.constant 0 : i32
    %sign3A_338 = arith.cmpi slt, %jit3A_325, %sign3A_337 : i32
    %sign3A_339 = arith.extui %sign3A_338 : i1 to i32
    %sign3A_340 = arith.subi %sign3A_336, %sign3A_339 : i32
    %ne3A_341 = arith.cmpi ne, %sign3A_333, %sign3A_340 : i32
    %rem3A_342 = arith.remsi %add3A_324, %jit3A_325 : i32
    %ne3A_343 = arith.constant 0 : i32
    %ne3A_344 = arith.cmpi ne, %rem3A_342, %ne3A_343 : i32
    %and3A_345 = arith.andi %ne3A_341, %ne3A_344 : i1
    %sub3A_346 = arith.constant 1 : i32
    %sub3A_347 = arith.subi %div3A_326, %sub3A_346 : i32
    %select_n3A_348 = arith.select %and3A_345, %sub3A_347, %div3A_326 : i32
    %while3A = arith.constant 0 : i32
    %while3A_349 = arith.constant 0 : i32
    %while3A_350 = arith.subi %select_n3A_348, %while3A_349 : i32
    %while3A_351 = arith.addi %while3A_349, %while3A_350 : i32
    %while3A_352 = arith.constant 1 : i32
    %while3A_353 = arith.divsi %while3A_350, %while3A_352 : i32
    %while3A_354 = arith.muli %while3A_353, %while3A_352 : i32
    %while3A_355 = arith.addi %while3A_349, %while3A_354 : i32
    %while3A_356 = arith.constant 1 : i32
    scf.for %while3A_367 = %while3A_349 to %while3A_355 step %while3A_356  : i32 {
      %mul3A_368 = arith.constant 2 : i32
      %mul3A_369 = arith.muli %mul3A_368, %while3A_367 : i32
      %add3A_370 = arith.constant 1 : i32
      %add3A_371 = arith.addi %mul3A_369, %add3A_370 : i32
      %lt3A_372 = arith.cmpi slt, %add3A_371, %select_n3A : i32
      %convert_element_type3A_373 = arith.extui %lt3A_372 : i1 to i32
      %cond3A_374 = arith.constant 0 : i32
      %cond3A_375 = arith.cmpi ne, %convert_element_type3A_373, %cond3A_374 : i32
      scf.if %cond3A_375 {
        %mul3A_392 = arith.constant 64 : i32
        %mul3A_393 = arith.muli %add3A_371, %mul3A_392 : i32
        %dma_start3A_394 = tpu.memref_slice %arg8[%mul3A_393] : memref<10096xi32, #tpu.memory_space<vmem>> -> memref<64xi32, #tpu.memory_space<vmem>>
        %dma_start3A_395 = arith.constant 0 : i32
        %dma_start3A_396 = arith.constant 0 : i32
        %dma_start3A_397 = tpu.memref_slice %arg6[%dma_start3A_395, %dma_start3A_396] : memref<10000x128xf32, #tpu.memory_space<hbm>> -> memref<10000x128xf32, #tpu.memory_space<hbm>>
        tpu.enqueue_indirect_dma source(%dma_start3A_397 : memref<10000x128xf32, #tpu.memory_space<hbm>>) target(%arg16 : memref<64x128xf32, #tpu.memory_space<vmem>>) offsets(%dma_start3A_394 : memref<64xi32, #tpu.memory_space<vmem>>) semaphore(%arg19 : memref<!tpu.dma_semaphore, #tpu.memory_space<semaphore_mem>>)
      } else {
      }
      %mul3A_376 = arith.constant 64 : i32
      %mul3A_377 = arith.muli %mul3A_369, %mul3A_376 : i32
      %dma_wait3A_378 = tpu.memref_slice %arg8[%mul3A_377] : memref<10096xi32, #tpu.memory_space<vmem>> -> memref<64xi32, #tpu.memory_space<vmem>>
      %dma_wait3A_379 = arith.constant 0 : i32
      %dma_wait3A_380 = arith.constant 0 : i32
      %dma_wait3A_381 = tpu.memref_slice %arg6[%dma_wait3A_379, %dma_wait3A_380] : memref<10000x128xf32, #tpu.memory_space<hbm>> -> memref<10000x128xf32, #tpu.memory_space<hbm>>
      tpu.wait_indirect_dma semaphore(%arg18 : memref<!tpu.dma_semaphore, #tpu.memory_space<semaphore_mem>>) src(%dma_wait3A_381 : memref<10000x128xf32, #tpu.memory_space<hbm>>) dst(%arg15 : memref<64x128xf32, #tpu.memory_space<vmem>>)
      %scan3A_382 = arith.constant 0 : i32
      %scan3A_383 = arith.constant 0 : i32
      %scan3A_384 = arith.constant 4 : i32
      %scan3A_385 = arith.addi %scan3A_383, %scan3A_384 : i32
      %scan3A_386 = arith.constant 1 : i32
      scf.for %scan3A_392 = %scan3A_383 to %scan3A_385 step %scan3A_386  : i32 {
        %mul3A_393 = arith.constant 64 : i32
        %mul3A_394 = arith.muli %mul3A_369, %mul3A_393 : i32
        %mul3A_395 = arith.constant 16 : i32
        %mul3A_396 = arith.muli %scan3A_392, %mul3A_395 : i32
        %add3A_397 = arith.addi %mul3A_394, %mul3A_396 : i32
        %get3A_398 = arith.index_cast %add3A_397 : i32 to index
        %get3A_399 = tpu.vector_load %arg9[%get3A_398] {strides = array<i32>} : memref<10096xi32, #tpu.memory_space<vmem>>, vector<16xi32>,
        %mul3A_400 = arith.constant 16 : i32
        %mul3A_401 = arith.muli %scan3A_392, %mul3A_400 : i32
        %swap3A_402 = arith.index_cast %mul3A_401 : i32 to index
        %swap3A_403 = tpu.vector_load %arg13[%swap3A_402] {strides = array<i32>} : memref<64xi32, #tpu.memory_space<vmem>>, vector<16xi32>,
        tpu.vector_store %arg13[%swap3A_402], %get3A_399 {strides = array<i32>} : memref<64xi32, #tpu.memory_space<vmem>>, vector<16xi32>,
      }
      %scan3A_387 = arith.constant 4 : i32
      "tpu.region"() ({
        %run_scoped3A = tpu.sem_alloc : memref<!tpu.dma_semaphore, #tpu.memory_space<semaphore_mem>>
        %dma_start3A_392 = arith.constant 0 : i32
        %dma_start3A_393 = arith.constant 0 : i32
        %dma_start3A_394 = tpu.memref_slice %arg17[%dma_start3A_392, %dma_start3A_393] : memref<10016x128xf32, #tpu.memory_space<vmem_shared>> -> memref<10016x128xf32, #tpu.memory_space<vmem_shared>>
        tpu.enqueue_indirect_dma source(%arg15 : memref<64x128xf32, #tpu.memory_space<vmem>>) target(%dma_start3A_394 : memref<10016x128xf32, #tpu.memory_space<vmem_shared>>) offsets(%arg13 : memref<64xi32, #tpu.memory_space<vmem>>) semaphore(%run_scoped3A : memref<!tpu.dma_semaphore, #tpu.memory_space<semaphore_mem>>) {add = true}
        %dma_wait3A_395 = arith.constant 0 : i32
        %dma_wait3A_396 = arith.constant 0 : i32
        %dma_wait3A_397 = tpu.memref_slice %arg17[%dma_wait3A_395, %dma_wait3A_396] : memref<10016x128xf32, #tpu.memory_space<vmem_shared>> -> memref<10016x128xf32, #tpu.memory_space<vmem_shared>>
        tpu.wait_indirect_dma semaphore(%run_scoped3A : memref<!tpu.dma_semaphore, #tpu.memory_space<semaphore_mem>>) src(%arg15 : memref<64x128xf32, #tpu.memory_space<vmem>>) dst(%dma_wait3A_397 : memref<10016x128xf32, #tpu.memory_space<vmem_shared>>)
        tpu.yield
      }) : () -> ()
      %lt3A_388 = arith.cmpi slt, %add3A_371, %select_n3A : i32
      %convert_element_type3A_389 = arith.extui %lt3A_388 : i1 to i32
      %cond3A_390 = arith.constant 0 : i32
      %cond3A_391 = arith.cmpi ne, %convert_element_type3A_389, %cond3A_390 : i32
      scf.if %cond3A_391 {
        %add3A_392 = arith.constant 1 : i32
        %add3A_393 = arith.addi %add3A_371, %add3A_392 : i32
        %lt3A_394 = arith.cmpi slt, %add3A_393, %select_n3A : i32
        %convert_element_type3A_395 = arith.extui %lt3A_394 : i1 to i32
        %cond3A_396 = arith.constant 0 : i32
        %cond3A_397 = arith.cmpi ne, %convert_element_type3A_395, %cond3A_396 : i32
        scf.if %cond3A_397 {
          %add3A_410 = arith.constant 1 : i32
          %add3A_411 = arith.addi %add3A_371, %add3A_410 : i32
          %mul3A_412 = arith.constant 64 : i32
          %mul3A_413 = arith.muli %add3A_411, %mul3A_412 : i32
          %dma_start3A_414 = tpu.memref_slice %arg8[%mul3A_413] : memref<10096xi32, #tpu.memory_space<vmem>> -> memref<64xi32, #tpu.memory_space<vmem>>
          %dma_start3A_415 = arith.constant 0 : i32
          %dma_start3A_416 = arith.constant 0 : i32
          %dma_start3A_417 = tpu.memref_slice %arg6[%dma_start3A_415, %dma_start3A_416] : memref<10000x128xf32, #tpu.memory_space<hbm>> -> memref<10000x128xf32, #tpu.memory_space<hbm>>
          tpu.enqueue_indirect_dma source(%dma_start3A_417 : memref<10000x128xf32, #tpu.memory_space<hbm>>) target(%arg15 : memref<64x128xf32, #tpu.memory_space<vmem>>) offsets(%dma_start3A_414 : memref<64xi32, #tpu.memory_space<vmem>>) semaphore(%arg18 : memref<!tpu.dma_semaphore, #tpu.memory_space<semaphore_mem>>)
        } else {
        }
        %mul3A_398 = arith.constant 64 : i32
        %mul3A_399 = arith.muli %add3A_371, %mul3A_398 : i32
        %dma_wait3A_400 = tpu.memref_slice %arg8[%mul3A_399] : memref<10096xi32, #tpu.memory_space<vmem>> -> memref<64xi32, #tpu.memory_space<vmem>>
        %dma_wait3A_401 = arith.constant 0 : i32
        %dma_wait3A_402 = arith.constant 0 : i32
        %dma_wait3A_403 = tpu.memref_slice %arg6[%dma_wait3A_401, %dma_wait3A_402] : memref<10000x128xf32, #tpu.memory_space<hbm>> -> memref<10000x128xf32, #tpu.memory_space<hbm>>
        tpu.wait_indirect_dma semaphore(%arg19 : memref<!tpu.dma_semaphore, #tpu.memory_space<semaphore_mem>>) src(%dma_wait3A_403 : memref<10000x128xf32, #tpu.memory_space<hbm>>) dst(%arg16 : memref<64x128xf32, #tpu.memory_space<vmem>>)
        %scan3A_404 = arith.constant 0 : i32
        %scan3A_405 = arith.constant 0 : i32
        %scan3A_406 = arith.constant 4 : i32
        %scan3A_407 = arith.addi %scan3A_405, %scan3A_406 : i32
        %scan3A_408 = arith.constant 1 : i32
        scf.for %scan3A_410 = %scan3A_405 to %scan3A_407 step %scan3A_408  : i32 {
          %mul3A_411 = arith.constant 64 : i32
          %mul3A_412 = arith.muli %add3A_371, %mul3A_411 : i32
          %mul3A_413 = arith.constant 16 : i32
          %mul3A_414 = arith.muli %scan3A_410, %mul3A_413 : i32
          %add3A_415 = arith.addi %mul3A_412, %mul3A_414 : i32
          %get3A_416 = arith.index_cast %add3A_415 : i32 to index
          %get3A_417 = tpu.vector_load %arg9[%get3A_416] {strides = array<i32>} : memref<10096xi32, #tpu.memory_space<vmem>>, vector<16xi32>,
          %mul3A_418 = arith.constant 16 : i32
          %mul3A_419 = arith.muli %scan3A_410, %mul3A_418 : i32
          %swap3A_420 = arith.index_cast %mul3A_419 : i32 to index
          %swap3A_421 = tpu.vector_load %arg14[%swap3A_420] {strides = array<i32>} : memref<64xi32, #tpu.memory_space<vmem>>, vector<16xi32>,
          tpu.vector_store %arg14[%swap3A_420], %get3A_417 {strides = array<i32>} : memref<64xi32, #tpu.memory_space<vmem>>, vector<16xi32>,
        }
        %scan3A_409 = arith.constant 4 : i32
        "tpu.region"() ({
          %run_scoped3A = tpu.sem_alloc : memref<!tpu.dma_semaphore, #tpu.memory_space<semaphore_mem>>
          %dma_start3A_410 = arith.constant 0 : i32
          %dma_start3A_411 = arith.constant 0 : i32
          %dma_start3A_412 = tpu.memref_slice %arg17[%dma_start3A_410, %dma_start3A_411] : memref<10016x128xf32, #tpu.memory_space<vmem_shared>> -> memref<10016x128xf32, #tpu.memory_space<vmem_shared>>
          tpu.enqueue_indirect_dma source(%arg16 : memref<64x128xf32, #tpu.memory_space<vmem>>) target(%dma_start3A_412 : memref<10016x128xf32, #tpu.memory_space<vmem_shared>>) offsets(%arg14 : memref<64xi32, #tpu.memory_space<vmem>>) semaphore(%run_scoped3A : memref<!tpu.dma_semaphore, #tpu.memory_space<semaphore_mem>>) {add = true}
          %dma_wait3A_413 = arith.constant 0 : i32
          %dma_wait3A_414 = arith.constant 0 : i32
          %dma_wait3A_415 = tpu.memref_slice %arg17[%dma_wait3A_413, %dma_wait3A_414] : memref<10016x128xf32, #tpu.memory_space<vmem_shared>> -> memref<10016x128xf32, #tpu.memory_space<vmem_shared>>
          tpu.wait_indirect_dma semaphore(%run_scoped3A : memref<!tpu.dma_semaphore, #tpu.memory_space<semaphore_mem>>) src(%arg16 : memref<64x128xf32, #tpu.memory_space<vmem>>) dst(%dma_wait3A_415 : memref<10016x128xf32, #tpu.memory_space<vmem_shared>>)
          tpu.yield
        }) : () -> ()
      } else {
      }
    }
    %while3A_357 = arith.constant 1 : i32
    scf.for %while3A_367 = %while3A_355 to %while3A_351 step %while3A_357  : i32 {
      %mul3A_368 = arith.constant 2 : i32
      %mul3A_369 = arith.muli %mul3A_368, %while3A_367 : i32
      %add3A_370 = arith.constant 1 : i32
      %add3A_371 = arith.addi %mul3A_369, %add3A_370 : i32
      %lt3A_372 = arith.cmpi slt, %add3A_371, %select_n3A : i32
      %convert_element_type3A_373 = arith.extui %lt3A_372 : i1 to i32
      %cond3A_374 = arith.constant 0 : i32
      %cond3A_375 = arith.cmpi ne, %convert_element_type3A_373, %cond3A_374 : i32
      scf.if %cond3A_375 {
        %mul3A_392 = arith.constant 64 : i32
        %mul3A_393 = arith.muli %add3A_371, %mul3A_392 : i32
        %dma_start3A_394 = tpu.memref_slice %arg8[%mul3A_393] : memref<10096xi32, #tpu.memory_space<vmem>> -> memref<64xi32, #tpu.memory_space<vmem>>
        %dma_start3A_395 = arith.constant 0 : i32
        %dma_start3A_396 = arith.constant 0 : i32
        %dma_start3A_397 = tpu.memref_slice %arg6[%dma_start3A_395, %dma_start3A_396] : memref<10000x128xf32, #tpu.memory_space<hbm>> -> memref<10000x128xf32, #tpu.memory_space<hbm>>
        tpu.enqueue_indirect_dma source(%dma_start3A_397 : memref<10000x128xf32, #tpu.memory_space<hbm>>) target(%arg16 : memref<64x128xf32, #tpu.memory_space<vmem>>) offsets(%dma_start3A_394 : memref<64xi32, #tpu.memory_space<vmem>>) semaphore(%arg19 : memref<!tpu.dma_semaphore, #tpu.memory_space<semaphore_mem>>)
      } else {
      }
      %mul3A_376 = arith.constant 64 : i32
      %mul3A_377 = arith.muli %mul3A_369, %mul3A_376 : i32
      %dma_wait3A_378 = tpu.memref_slice %arg8[%mul3A_377] : memref<10096xi32, #tpu.memory_space<vmem>> -> memref<64xi32, #tpu.memory_space<vmem>>
      %dma_wait3A_379 = arith.constant 0 : i32
      %dma_wait3A_380 = arith.constant 0 : i32
      %dma_wait3A_381 = tpu.memref_slice %arg6[%dma_wait3A_379, %dma_wait3A_380] : memref<10000x128xf32, #tpu.memory_space<hbm>> -> memref<10000x128xf32, #tpu.memory_space<hbm>>
      tpu.wait_indirect_dma semaphore(%arg18 : memref<!tpu.dma_semaphore, #tpu.memory_space<semaphore_mem>>) src(%dma_wait3A_381 : memref<10000x128xf32, #tpu.memory_space<hbm>>) dst(%arg15 : memref<64x128xf32, #tpu.memory_space<vmem>>)
      %scan3A_382 = arith.constant 0 : i32
      %scan3A_383 = arith.constant 0 : i32
      %scan3A_384 = arith.constant 4 : i32
      %scan3A_385 = arith.addi %scan3A_383, %scan3A_384 : i32
      %scan3A_386 = arith.constant 1 : i32
      scf.for %scan3A_392 = %scan3A_383 to %scan3A_385 step %scan3A_386  : i32 {
        %mul3A_393 = arith.constant 64 : i32
        %mul3A_394 = arith.muli %mul3A_369, %mul3A_393 : i32
        %mul3A_395 = arith.constant 16 : i32
        %mul3A_396 = arith.muli %scan3A_392, %mul3A_395 : i32
        %add3A_397 = arith.addi %mul3A_394, %mul3A_396 : i32
        %get3A_398 = arith.index_cast %add3A_397 : i32 to index
        %get3A_399 = tpu.vector_load %arg9[%get3A_398] {strides = array<i32>} : memref<10096xi32, #tpu.memory_space<vmem>>, vector<16xi32>,
        %mul3A_400 = arith.constant 16 : i32
        %mul3A_401 = arith.muli %scan3A_392, %mul3A_400 : i32
        %swap3A_402 = arith.index_cast %mul3A_401 : i32 to index
        %swap3A_403 = tpu.vector_load %arg13[%swap3A_402] {strides = array<i32>} : memref<64xi32, #tpu.memory_space<vmem>>, vector<16xi32>,
        tpu.vector_store %arg13[%swap3A_402], %get3A_399 {strides = array<i32>} : memref<64xi32, #tpu.memory_space<vmem>>, vector<16xi32>,
      }
      %scan3A_387 = arith.constant 4 : i32
      "tpu.region"() ({
        %run_scoped3A = tpu.sem_alloc : memref<!tpu.dma_semaphore, #tpu.memory_space<semaphore_mem>>
        %dma_start3A_392 = arith.constant 0 : i32
        %dma_start3A_393 = arith.constant 0 : i32
        %dma_start3A_394 = tpu.memref_slice %arg17[%dma_start3A_392, %dma_start3A_393] : memref<10016x128xf32, #tpu.memory_space<vmem_shared>> -> memref<10016x128xf32, #tpu.memory_space<vmem_shared>>
        tpu.enqueue_indirect_dma source(%arg15 : memref<64x128xf32, #tpu.memory_space<vmem>>) target(%dma_start3A_394 : memref<10016x128xf32, #tpu.memory_space<vmem_shared>>) offsets(%arg13 : memref<64xi32, #tpu.memory_space<vmem>>) semaphore(%run_scoped3A : memref<!tpu.dma_semaphore, #tpu.memory_space<semaphore_mem>>) {add = true}
        %dma_wait3A_395 = arith.constant 0 : i32
        %dma_wait3A_396 = arith.constant 0 : i32
        %dma_wait3A_397 = tpu.memref_slice %arg17[%dma_wait3A_395, %dma_wait3A_396] : memref<10016x128xf32, #tpu.memory_space<vmem_shared>> -> memref<10016x128xf32, #tpu.memory_space<vmem_shared>>
        tpu.wait_indirect_dma semaphore(%run_scoped3A : memref<!tpu.dma_semaphore, #tpu.memory_space<semaphore_mem>>) src(%arg15 : memref<64x128xf32, #tpu.memory_space<vmem>>) dst(%dma_wait3A_397 : memref<10016x128xf32, #tpu.memory_space<vmem_shared>>)
        tpu.yield
      }) : () -> ()
      %lt3A_388 = arith.cmpi slt, %add3A_371, %select_n3A : i32
      %convert_element_type3A_389 = arith.extui %lt3A_388 : i1 to i32
      %cond3A_390 = arith.constant 0 : i32
      %cond3A_391 = arith.cmpi ne, %convert_element_type3A_389, %cond3A_390 : i32
      scf.if %cond3A_391 {
        %add3A_392 = arith.constant 1 : i32
        %add3A_393 = arith.addi %add3A_371, %add3A_392 : i32
        %lt3A_394 = arith.cmpi slt, %add3A_393, %select_n3A : i32
        %convert_element_type3A_395 = arith.extui %lt3A_394 : i1 to i32
        %cond3A_396 = arith.constant 0 : i32
        %cond3A_397 = arith.cmpi ne, %convert_element_type3A_395, %cond3A_396 : i32
        scf.if %cond3A_397 {
          %add3A_410 = arith.constant 1 : i32
          %add3A_411 = arith.addi %add3A_371, %add3A_410 : i32
          %mul3A_412 = arith.constant 64 : i32
          %mul3A_413 = arith.muli %add3A_411, %mul3A_412 : i32
          %dma_start3A_414 = tpu.memref_slice %arg8[%mul3A_413] : memref<10096xi32, #tpu.memory_space<vmem>> -> memref<64xi32, #tpu.memory_space<vmem>>
          %dma_start3A_415 = arith.constant 0 : i32
          %dma_start3A_416 = arith.constant 0 : i32
          %dma_start3A_417 = tpu.memref_slice %arg6[%dma_start3A_415, %dma_start3A_416] : memref<10000x128xf32, #tpu.memory_space<hbm>> -> memref<10000x128xf32, #tpu.memory_space<hbm>>
          tpu.enqueue_indirect_dma source(%dma_start3A_417 : memref<10000x128xf32, #tpu.memory_space<hbm>>) target(%arg15 : memref<64x128xf32, #tpu.memory_space<vmem>>) offsets(%dma_start3A_414 : memref<64xi32, #tpu.memory_space<vmem>>) semaphore(%arg18 : memref<!tpu.dma_semaphore, #tpu.memory_space<semaphore_mem>>)
        } else {
        }
        %mul3A_398 = arith.constant 64 : i32
        %mul3A_399 = arith.muli %add3A_371, %mul3A_398 : i32
        %dma_wait3A_400 = tpu.memref_slice %arg8[%mul3A_399] : memref<10096xi32, #tpu.memory_space<vmem>> -> memref<64xi32, #tpu.memory_space<vmem>>
        %dma_wait3A_401 = arith.constant 0 : i32
        %dma_wait3A_402 = arith.constant 0 : i32
        %dma_wait3A_403 = tpu.memref_slice %arg6[%dma_wait3A_401, %dma_wait3A_402] : memref<10000x128xf32, #tpu.memory_space<hbm>> -> memref<10000x128xf32, #tpu.memory_space<hbm>>
        tpu.wait_indirect_dma semaphore(%arg19 : memref<!tpu.dma_semaphore, #tpu.memory_space<semaphore_mem>>) src(%dma_wait3A_403 : memref<10000x128xf32, #tpu.memory_space<hbm>>) dst(%arg16 : memref<64x128xf32, #tpu.memory_space<vmem>>)
        %scan3A_404 = arith.constant 0 : i32
        %scan3A_405 = arith.constant 0 : i32
        %scan3A_406 = arith.constant 4 : i32
        %scan3A_407 = arith.addi %scan3A_405, %scan3A_406 : i32
        %scan3A_408 = arith.constant 1 : i32
        scf.for %scan3A_410 = %scan3A_405 to %scan3A_407 step %scan3A_408  : i32 {
          %mul3A_411 = arith.constant 64 : i32
          %mul3A_412 = arith.muli %add3A_371, %mul3A_411 : i32
          %mul3A_413 = arith.constant 16 : i32
          %mul3A_414 = arith.muli %scan3A_410, %mul3A_413 : i32
          %add3A_415 = arith.addi %mul3A_412, %mul3A_414 : i32
          %get3A_416 = arith.index_cast %add3A_415 : i32 to index
          %get3A_417 = tpu.vector_load %arg9[%get3A_416] {strides = array<i32>} : memref<10096xi32, #tpu.memory_space<vmem>>, vector<16xi32>,
          %mul3A_418 = arith.constant 16 : i32
          %mul3A_419 = arith.muli %scan3A_410, %mul3A_418 : i32
          %swap3A_420 = arith.index_cast %mul3A_419 : i32 to index
          %swap3A_421 = tpu.vector_load %arg14[%swap3A_420] {strides = array<i32>} : memref<64xi32, #tpu.memory_space<vmem>>, vector<16xi32>,
          tpu.vector_store %arg14[%swap3A_420], %get3A_417 {strides = array<i32>} : memref<64xi32, #tpu.memory_space<vmem>>, vector<16xi32>,
        }
        %scan3A_409 = arith.constant 4 : i32
        "tpu.region"() ({
          %run_scoped3A = tpu.sem_alloc : memref<!tpu.dma_semaphore, #tpu.memory_space<semaphore_mem>>
          %dma_start3A_410 = arith.constant 0 : i32
          %dma_start3A_411 = arith.constant 0 : i32
          %dma_start3A_412 = tpu.memref_slice %arg17[%dma_start3A_410, %dma_start3A_411] : memref<10016x128xf32, #tpu.memory_space<vmem_shared>> -> memref<10016x128xf32, #tpu.memory_space<vmem_shared>>
          tpu.enqueue_indirect_dma source(%arg16 : memref<64x128xf32, #tpu.memory_space<vmem>>) target(%dma_start3A_412 : memref<10016x128xf32, #tpu.memory_space<vmem_shared>>) offsets(%arg14 : memref<64xi32, #tpu.memory_space<vmem>>) semaphore(%run_scoped3A : memref<!tpu.dma_semaphore, #tpu.memory_space<semaphore_mem>>) {add = true}
          %dma_wait3A_413 = arith.constant 0 : i32
          %dma_wait3A_414 = arith.constant 0 : i32
          %dma_wait3A_415 = tpu.memref_slice %arg17[%dma_wait3A_413, %dma_wait3A_414] : memref<10016x128xf32, #tpu.memory_space<vmem_shared>> -> memref<10016x128xf32, #tpu.memory_space<vmem_shared>>
          tpu.wait_indirect_dma semaphore(%run_scoped3A : memref<!tpu.dma_semaphore, #tpu.memory_space<semaphore_mem>>) src(%arg16 : memref<64x128xf32, #tpu.memory_space<vmem>>) dst(%dma_wait3A_415 : memref<10016x128xf32, #tpu.memory_space<vmem_shared>>)
          tpu.yield
        }) : () -> ()
      } else {
      }
    }
    %barrier3A_358 = arith.constant 0 : index
    tpu.barrier barrier_id(%barrier3A_358)
    %dma_start3A_359 = arith.constant 0 : i32
    %dma_start3A_360 = arith.constant 0 : i32
    %dma_start3A_361 = tpu.memref_slice %arg17[%dma_start3A_359, %dma_start3A_360] : memref<10016x128xf32, #tpu.memory_space<vmem_shared>> -> memref<10016x128xf32, #tpu.memory_space<vmem_shared>>
    tpu.enqueue_indirect_dma source(%dma_start3A_361 : memref<10016x128xf32, #tpu.memory_space<vmem_shared>>) target(%arg15 : memref<64x128xf32, #tpu.memory_space<vmem>>) offsets(%arg12 : memref<64xi32, #tpu.memory_space<vmem>>) semaphore(%arg18 : memref<!tpu.dma_semaphore, #tpu.memory_space<semaphore_mem>>)
    %dma_wait3A_362 = arith.constant 0 : i32
    %dma_wait3A_363 = arith.constant 0 : i32
    %dma_wait3A_364 = tpu.memref_slice %arg17[%dma_wait3A_362, %dma_wait3A_363] : memref<10016x128xf32, #tpu.memory_space<vmem_shared>> -> memref<10016x128xf32, #tpu.memory_space<vmem_shared>>
    tpu.wait_indirect_dma semaphore(%arg18 : memref<!tpu.dma_semaphore, #tpu.memory_space<semaphore_mem>>) src(%dma_wait3A_364 : memref<10016x128xf32, #tpu.memory_space<vmem_shared>>) dst(%arg15 : memref<64x128xf32, #tpu.memory_space<vmem>>)
    %mul3A_365 = arith.constant 64 : i32
    %mul3A_366 = arith.muli %arg1, %mul3A_365 : i32
    "tpu.region"() ({
      %run_scoped3A = tpu.sem_alloc : memref<!tpu.dma_semaphore, #tpu.memory_space<semaphore_mem>>
      %dma_start3A_367 = arith.constant 0 : i32
      %dma_start3A_368 = tpu.memref_slice %arg7[%arg0, %mul3A_366, %dma_start3A_367] : memref<2x1024x128xf32, #tpu.memory_space<hbm>> -> memref<1x64x128xf32, #tpu.memory_space<hbm>>
      %dma_start3A_369 = tpu.memref_squeeze %dma_start3A_368 : memref<1x64x128xf32, #tpu.memory_space<hbm>> -> memref<64x128xf32, #tpu.memory_space<hbm>>
      %dma_start3A_370 = arith.constant 0 : i32
      %dma_start3A_371 = tpu.memref_slice %arg7[%arg0, %mul3A_366, %dma_start3A_370] : memref<2x1024x128xf32, #tpu.memory_space<hbm>> -> memref<1x64x128xf32, #tpu.memory_space<hbm>>
      %dma_start3A_372 = tpu.memref_squeeze %dma_start3A_371 : memref<1x64x128xf32, #tpu.memory_space<hbm>> -> memref<64x128xf32, #tpu.memory_space<hbm>>
      tpu.enqueue_dma source(%arg15 : memref<64x128xf32, #tpu.memory_space<vmem>>) target(%dma_start3A_372 : memref<64x128xf32, #tpu.memory_space<hbm>>) target_semaphore(%run_scoped3A : memref<!tpu.dma_semaphore, #tpu.memory_space<semaphore_mem>>)
      %dma_wait3A_373 = arith.constant 0 : i32
      %dma_wait3A_374 = tpu.memref_slice %arg7[%arg0, %mul3A_366, %dma_wait3A_373] : memref<2x1024x128xf32, #tpu.memory_space<hbm>> -> memref<1x64x128xf32, #tpu.memory_space<hbm>>
      %dma_wait3A_375 = tpu.memref_squeeze %dma_wait3A_374 : memref<1x64x128xf32, #tpu.memory_space<hbm>> -> memref<64x128xf32, #tpu.memory_space<hbm>>
      %dma_wait3A_376 = arith.constant 0 : i32
      %dma_wait3A_377 = tpu.memref_slice %arg7[%arg0, %mul3A_366, %dma_wait3A_376] : memref<2x1024x128xf32, #tpu.memory_space<hbm>> -> memref<1x64x128xf32, #tpu.memory_space<hbm>>
      %dma_wait3A_378 = tpu.memref_squeeze %dma_wait3A_377 : memref<1x64x128xf32, #tpu.memory_space<hbm>> -> memref<64x128xf32, #tpu.memory_space<hbm>>
      tpu.wait_dma2 semaphore(%run_scoped3A : memref<!tpu.dma_semaphore, #tpu.memory_space<semaphore_mem>>) src(%arg15 : memref<64x128xf32, #tpu.memory_space<vmem>>) dst(%dma_wait3A_378 : memref<64x128xf32, #tpu.memory_space<hbm>>)
      tpu.yield
    }) : () -> ()
    return
  }
}

#map = affine_map<(d0, d1) -> (0)>
#map1 = affine_map<(d0, d1) -> (0, 0)>
#map2 = affine_map<(d0, d1) -> (0, 0, 0)>
module attributes {stable_mosaic.version = 14 : i64} {
  func.func @_k2(%arg0: i32, %arg1: i32, %arg2: memref<20000xf32, #tpu.memory_space<hbm>>, %arg3: memref<640000xi32, #tpu.memory_space<hbm>>, %arg4: memref<2048xi32, #tpu.memory_space<hbm>>, %arg5: memref<10000x128xf32, #tpu.memory_space<hbm>>, %arg6: memref<320000xf32, #tpu.memory_space<hbm>>, %arg7: memref<2x1024x128xf32, #tpu.memory_space<hbm>>, %arg8: memref<10000xf32, #tpu.memory_space<vmem>>, %arg9: memref<10000xf32, #tpu.memory_space<vmem>>, %arg10: memref<10000xi32, #tpu.memory_space<vmem>>, %arg11: memref<10000xi32, #tpu.memory_space<vmem>>, %arg12: memref<10000xf32, #tpu.memory_space<vmem>>, %arg13: memref<1024xi32, #tpu.memory_space<vmem>>, %arg14: memref<64x128xf32, #tpu.memory_space<vmem>>, %arg15: memref<!tpu.dma_semaphore, #tpu.memory_space<semaphore_mem>>) attributes {dimension_semantics = [#tpu.dimension_semantics<core_parallel>, #tpu.dimension_semantics<subcore_parallel>], iteration_bounds = array<i64: 2, 16>, scalar_prefetch = 0 : i64, scratch_operands = 8 : i64, tpu.core_type = #tpu.core_type<sc_vector_subcore>, window_params = [{transform_indices = #map}, {transform_indices = #map}, {transform_indices = #map}, {transform_indices = #map1}, {transform_indices = #map}, {transform_indices = #map2}]} {
    %mul3A = arith.constant 10000 : i32
    %mul3A_0 = arith.muli %arg1, %mul3A : i32
    %mul3A_1 = arith.constant 10000 : i32
    %mul3A_2 = arith.muli %arg0, %mul3A_1 : i32
    %dma_start3A = tpu.memref_slice %arg2[%mul3A_2] : memref<20000xf32, #tpu.memory_space<hbm>> -> memref<10000xf32, #tpu.memory_space<hbm>>
    %dma_start3A_3 = tpu.memref_slice %arg2[%mul3A_2] : memref<20000xf32, #tpu.memory_space<hbm>> -> memref<10000xf32, #tpu.memory_space<hbm>>
    tpu.enqueue_dma source(%dma_start3A_3 : memref<10000xf32, #tpu.memory_space<hbm>>) target(%arg8 : memref<10000xf32, #tpu.memory_space<vmem>>) target_semaphore(%arg15 : memref<!tpu.dma_semaphore, #tpu.memory_space<semaphore_mem>>)
    %mul3A_4 = arith.constant 2 : i32
    %mul3A_5 = arith.muli %arg0, %mul3A_4 : i32
    %mul3A_6 = arith.constant 160000 : i32
    %mul3A_7 = arith.muli %mul3A_5, %mul3A_6 : i32
    %add3A = arith.addi %mul3A_7, %mul3A_0 : i32
    %dma_start3A_8 = tpu.memref_slice %arg3[%add3A] : memref<640000xi32, #tpu.memory_space<hbm>> -> memref<10000xi32, #tpu.memory_space<hbm>>
    %dma_start3A_9 = tpu.memref_slice %arg3[%add3A] : memref<640000xi32, #tpu.memory_space<hbm>> -> memref<10000xi32, #tpu.memory_space<hbm>>
    tpu.enqueue_dma source(%dma_start3A_9 : memref<10000xi32, #tpu.memory_space<hbm>>) target(%arg10 : memref<10000xi32, #tpu.memory_space<vmem>>) target_semaphore(%arg15 : memref<!tpu.dma_semaphore, #tpu.memory_space<semaphore_mem>>)
    %mul3A_10 = arith.constant 2 : i32
    %mul3A_11 = arith.muli %arg0, %mul3A_10 : i32
    %mul3A_12 = arith.constant 160000 : i32
    %mul3A_13 = arith.muli %mul3A_11, %mul3A_12 : i32
    %add3A_14 = arith.constant 160000 : i32
    %add3A_15 = arith.addi %mul3A_13, %add3A_14 : i32
    %add3A_16 = arith.addi %add3A_15, %mul3A_0 : i32
    %dma_start3A_17 = tpu.memref_slice %arg3[%add3A_16] : memref<640000xi32, #tpu.memory_space<hbm>> -> memref<10000xi32, #tpu.memory_space<hbm>>
    %dma_start3A_18 = tpu.memref_slice %arg3[%add3A_16] : memref<640000xi32, #tpu.memory_space<hbm>> -> memref<10000xi32, #tpu.memory_space<hbm>>
    tpu.enqueue_dma source(%dma_start3A_18 : memref<10000xi32, #tpu.memory_space<hbm>>) target(%arg11 : memref<10000xi32, #tpu.memory_space<vmem>>) target_semaphore(%arg15 : memref<!tpu.dma_semaphore, #tpu.memory_space<semaphore_mem>>)
    %mul3A_19 = arith.constant 1024 : i32
    %mul3A_20 = arith.muli %arg0, %mul3A_19 : i32
    %dma_start3A_21 = tpu.memref_slice %arg4[%mul3A_20] : memref<2048xi32, #tpu.memory_space<hbm>> -> memref<1024xi32, #tpu.memory_space<hbm>>
    %dma_start3A_22 = tpu.memref_slice %arg4[%mul3A_20] : memref<2048xi32, #tpu.memory_space<hbm>> -> memref<1024xi32, #tpu.memory_space<hbm>>
    tpu.enqueue_dma source(%dma_start3A_22 : memref<1024xi32, #tpu.memory_space<hbm>>) target(%arg13 : memref<1024xi32, #tpu.memory_space<vmem>>) target_semaphore(%arg15 : memref<!tpu.dma_semaphore, #tpu.memory_space<semaphore_mem>>)
    %mul3A_23 = arith.constant 10000 : i32
    %mul3A_24 = arith.muli %arg0, %mul3A_23 : i32
    %dma_wait3A = tpu.memref_slice %arg2[%mul3A_24] : memref<20000xf32, #tpu.memory_space<hbm>> -> memref<10000xf32, #tpu.memory_space<hbm>>
    %dma_wait3A_25 = tpu.memref_slice %arg2[%mul3A_24] : memref<20000xf32, #tpu.memory_space<hbm>> -> memref<10000xf32, #tpu.memory_space<hbm>>
    tpu.wait_dma2 semaphore(%arg15 : memref<!tpu.dma_semaphore, #tpu.memory_space<semaphore_mem>>) src(%dma_wait3A_25 : memref<10000xf32, #tpu.memory_space<hbm>>) dst(%arg8 : memref<10000xf32, #tpu.memory_space<vmem>>)
    %mul3A_26 = arith.constant 2 : i32
    %mul3A_27 = arith.muli %arg0, %mul3A_26 : i32
    %mul3A_28 = arith.constant 160000 : i32
    %mul3A_29 = arith.muli %mul3A_27, %mul3A_28 : i32
    %add3A_30 = arith.addi %mul3A_29, %mul3A_0 : i32
    %dma_wait3A_31 = tpu.memref_slice %arg3[%add3A_30] : memref<640000xi32, #tpu.memory_space<hbm>> -> memref<10000xi32, #tpu.memory_space<hbm>>
    %dma_wait3A_32 = tpu.memref_slice %arg3[%add3A_30] : memref<640000xi32, #tpu.memory_space<hbm>> -> memref<10000xi32, #tpu.memory_space<hbm>>
    tpu.wait_dma2 semaphore(%arg15 : memref<!tpu.dma_semaphore, #tpu.memory_space<semaphore_mem>>) src(%dma_wait3A_32 : memref<10000xi32, #tpu.memory_space<hbm>>) dst(%arg10 : memref<10000xi32, #tpu.memory_space<vmem>>)
    %mul3A_33 = arith.constant 2 : i32
    %mul3A_34 = arith.muli %arg0, %mul3A_33 : i32
    %mul3A_35 = arith.constant 160000 : i32
    %mul3A_36 = arith.muli %mul3A_34, %mul3A_35 : i32
    %add3A_37 = arith.constant 160000 : i32
    %add3A_38 = arith.addi %mul3A_36, %add3A_37 : i32
    %add3A_39 = arith.addi %add3A_38, %mul3A_0 : i32
    %dma_wait3A_40 = tpu.memref_slice %arg3[%add3A_39] : memref<640000xi32, #tpu.memory_space<hbm>> -> memref<10000xi32, #tpu.memory_space<hbm>>
    %dma_wait3A_41 = tpu.memref_slice %arg3[%add3A_39] : memref<640000xi32, #tpu.memory_space<hbm>> -> memref<10000xi32, #tpu.memory_space<hbm>>
    tpu.wait_dma2 semaphore(%arg15 : memref<!tpu.dma_semaphore, #tpu.memory_space<semaphore_mem>>) src(%dma_wait3A_41 : memref<10000xi32, #tpu.memory_space<hbm>>) dst(%arg11 : memref<10000xi32, #tpu.memory_space<vmem>>)
    %mul3A_42 = arith.constant 1024 : i32
    %mul3A_43 = arith.muli %arg0, %mul3A_42 : i32
    %dma_wait3A_44 = tpu.memref_slice %arg4[%mul3A_43] : memref<2048xi32, #tpu.memory_space<hbm>> -> memref<1024xi32, #tpu.memory_space<hbm>>
    %dma_wait3A_45 = tpu.memref_slice %arg4[%mul3A_43] : memref<2048xi32, #tpu.memory_space<hbm>> -> memref<1024xi32, #tpu.memory_space<hbm>>
    tpu.wait_dma2 semaphore(%arg15 : memref<!tpu.dma_semaphore, #tpu.memory_space<semaphore_mem>>) src(%dma_wait3A_45 : memref<1024xi32, #tpu.memory_space<hbm>>) dst(%arg13 : memref<1024xi32, #tpu.memory_space<vmem>>)
    %scan3A = arith.constant 0 : i32
    %scan3A_46 = arith.constant 0 : i32
    %scan3A_47 = arith.constant 625 : i32
    %scan3A_48 = arith.addi %scan3A_46, %scan3A_47 : i32
    %scan3A_49 = arith.constant 1 : i32
    scf.for %scan3A_88 = %scan3A_46 to %scan3A_48 step %scan3A_49  : i32 {
      %broadcast_in_dim3A = arith.constant 0.000000e+00 : f32
      %broadcast_in_dim3A_89 = vector.broadcast %broadcast_in_dim3A : f32 to vector<16xf32>
      %mul3A_90 = arith.constant 16 : i32
      %mul3A_91 = arith.muli %scan3A_88, %mul3A_90 : i32
      %swap3A_92 = arith.index_cast %mul3A_91 : i32 to index
      %swap3A_93 = tpu.vector_load %arg9[%swap3A_92] {strides = array<i32>} : memref<10000xf32, #tpu.memory_space<vmem>>, vector<16xf32>,
      tpu.vector_store %arg9[%swap3A_92], %broadcast_in_dim3A_89 {strides = array<i32>} : memref<10000xf32, #tpu.memory_space<vmem>>, vector<16xf32>,
    }
    %scan3A_50 = arith.constant 625 : i32
    %scan3A_51 = arith.constant 0 : i32
    %scan3A_52 = arith.constant 0 : i32
    %scan3A_53 = arith.constant 64 : i32
    %scan3A_54 = arith.addi %scan3A_52, %scan3A_53 : i32
    %scan3A_55 = arith.constant 1 : i32
    scf.for %scan3A_88 = %scan3A_52 to %scan3A_54 step %scan3A_55  : i32 {
      %mul3A_89 = arith.constant 16 : i32
      %mul3A_90 = arith.muli %scan3A_88, %mul3A_89 : i32
      %get3A_91 = arith.index_cast %mul3A_90 : i32 to index
      %get3A_92 = tpu.vector_load %arg13[%get3A_91] {strides = array<i32>} : memref<1024xi32, #tpu.memory_space<vmem>>, vector<16xi32>,
      %broadcast_in_dim3A = arith.constant 1.000000e+00 : f32
      %broadcast_in_dim3A_93 = vector.broadcast %broadcast_in_dim3A : f32 to vector<16xf32>
      tpu.vector_store_idx %arg9[%get3A_92], %broadcast_in_dim3A_93 : memref<10000xf32, #tpu.memory_space<vmem>>[vector<16xi32>], vector<16xf32>,
    }
    %scan3A_56 = arith.constant 64 : i32
    %scan3A_57 = arith.constant 0 : i32
    %scan3A_58 = arith.constant 0 : i32
    %scan3A_59 = arith.constant 156 : i32
    %scan3A_60 = arith.addi %scan3A_58, %scan3A_59 : i32
    %scan3A_61 = arith.constant 1 : i32
    scf.for %scan3A_88 = %scan3A_58 to %scan3A_60 step %scan3A_61  : i32 {
      %mul3A_89 = arith.constant 4 : i32
      %mul3A_90 = arith.muli %scan3A_88, %mul3A_89 : i32
      %add3A_91 = arith.constant 0 : i32
      %add3A_92 = arith.addi %mul3A_90, %add3A_91 : i32
      %mul3A_93 = arith.constant 16 : i32
      %mul3A_94 = arith.muli %add3A_92, %mul3A_93 : i32
      %get3A_95 = arith.index_cast %mul3A_94 : i32 to index
      %get3A_96 = tpu.vector_load %arg10[%get3A_95] {strides = array<i32>} : memref<10000xi32, #tpu.memory_space<vmem>>, vector<16xi32>,
      %get3A_97 = arith.index_cast %mul3A_94 : i32 to index
      %get3A_98 = tpu.vector_load %arg11[%get3A_97] {strides = array<i32>} : memref<10000xi32, #tpu.memory_space<vmem>>, vector<16xi32>,
      %gather3A_99 = tpu.vector_load_idx %arg8[%get3A_96] : memref<10000xf32, #tpu.memory_space<vmem>>[vector<16xi32>], vector<16xf32>,
      %gather3A_100 = tpu.vector_load_idx %arg8[%get3A_98] : memref<10000xf32, #tpu.memory_space<vmem>>[vector<16xi32>], vector<16xf32>,
      %gather3A_101 = tpu.vector_load_idx %arg9[%get3A_98] : memref<10000xf32, #tpu.memory_space<vmem>>[vector<16xi32>], vector<16xf32>,
      %sub3A_102 = arith.subf %gather3A_100, %gather3A_99 : vector<16xf32>
      %abs3A_103 = math.absf %sub3A_102 : vector<16xf32>
      %gt3A_104 = arith.constant 0.000000e+00 : f32
      %gt3A_105 = vector.broadcast %gt3A_104 : f32 to vector<16xf32>
      %gt3A_106 = arith.cmpf ogt, %gather3A_101, %gt3A_105 : vector<16xf32>
      %neg3A_107 = arith.constant 0.000000e+00 : f32
      %neg3A_108 = vector.broadcast %neg3A_107 : f32 to vector<16xf32>
      %neg3A_109 = arith.subf %neg3A_108, %abs3A_103 : vector<16xf32>
      %select_n3A_110 = arith.select %gt3A_106, %abs3A_103, %neg3A_109 : vector<16xi1>, vector<16xf32>
      %swap3A_111 = arith.index_cast %mul3A_94 : i32 to index
      %swap3A_112 = tpu.vector_load %arg12[%swap3A_111] {strides = array<i32>} : memref<10000xf32, #tpu.memory_space<vmem>>, vector<16xf32>,
      tpu.vector_store %arg12[%swap3A_111], %select_n3A_110 {strides = array<i32>} : memref<10000xf32, #tpu.memory_space<vmem>>, vector<16xf32>,
      %mul3A_113 = arith.constant 4 : i32
      %mul3A_114 = arith.muli %scan3A_88, %mul3A_113 : i32
      %add3A_115 = arith.constant 1 : i32
      %add3A_116 = arith.addi %mul3A_114, %add3A_115 : i32
      %mul3A_117 = arith.constant 16 : i32
      %mul3A_118 = arith.muli %add3A_116, %mul3A_117 : i32
      %get3A_119 = arith.index_cast %mul3A_118 : i32 to index
      %get3A_120 = tpu.vector_load %arg10[%get3A_119] {strides = array<i32>} : memref<10000xi32, #tpu.memory_space<vmem>>, vector<16xi32>,
      %get3A_121 = arith.index_cast %mul3A_118 : i32 to index
      %get3A_122 = tpu.vector_load %arg11[%get3A_121] {strides = array<i32>} : memref<10000xi32, #tpu.memory_space<vmem>>, vector<16xi32>,
      %gather3A_123 = tpu.vector_load_idx %arg8[%get3A_120] : memref<10000xf32, #tpu.memory_space<vmem>>[vector<16xi32>], vector<16xf32>,
      %gather3A_124 = tpu.vector_load_idx %arg8[%get3A_122] : memref<10000xf32, #tpu.memory_space<vmem>>[vector<16xi32>], vector<16xf32>,
      %gather3A_125 = tpu.vector_load_idx %arg9[%get3A_122] : memref<10000xf32, #tpu.memory_space<vmem>>[vector<16xi32>], vector<16xf32>,
      %sub3A_126 = arith.subf %gather3A_124, %gather3A_123 : vector<16xf32>
      %abs3A_127 = math.absf %sub3A_126 : vector<16xf32>
      %gt3A_128 = arith.constant 0.000000e+00 : f32
      %gt3A_129 = vector.broadcast %gt3A_128 : f32 to vector<16xf32>
      %gt3A_130 = arith.cmpf ogt, %gather3A_125, %gt3A_129 : vector<16xf32>
      %neg3A_131 = arith.constant 0.000000e+00 : f32
      %neg3A_132 = vector.broadcast %neg3A_131 : f32 to vector<16xf32>
      %neg3A_133 = arith.subf %neg3A_132, %abs3A_127 : vector<16xf32>
      %select_n3A_134 = arith.select %gt3A_130, %abs3A_127, %neg3A_133 : vector<16xi1>, vector<16xf32>
      %swap3A_135 = arith.index_cast %mul3A_118 : i32 to index
      %swap3A_136 = tpu.vector_load %arg12[%swap3A_135] {strides = array<i32>} : memref<10000xf32, #tpu.memory_space<vmem>>, vector<16xf32>,
      tpu.vector_store %arg12[%swap3A_135], %select_n3A_134 {strides = array<i32>} : memref<10000xf32, #tpu.memory_space<vmem>>, vector<16xf32>,
      %mul3A_137 = arith.constant 4 : i32
      %mul3A_138 = arith.muli %scan3A_88, %mul3A_137 : i32
      %add3A_139 = arith.constant 2 : i32
      %add3A_140 = arith.addi %mul3A_138, %add3A_139 : i32
      %mul3A_141 = arith.constant 16 : i32
      %mul3A_142 = arith.muli %add3A_140, %mul3A_141 : i32
      %get3A_143 = arith.index_cast %mul3A_142 : i32 to index
      %get3A_144 = tpu.vector_load %arg10[%get3A_143] {strides = array<i32>} : memref<10000xi32, #tpu.memory_space<vmem>>, vector<16xi32>,
      %get3A_145 = arith.index_cast %mul3A_142 : i32 to index
      %get3A_146 = tpu.vector_load %arg11[%get3A_145] {strides = array<i32>} : memref<10000xi32, #tpu.memory_space<vmem>>, vector<16xi32>,
      %gather3A_147 = tpu.vector_load_idx %arg8[%get3A_144] : memref<10000xf32, #tpu.memory_space<vmem>>[vector<16xi32>], vector<16xf32>,
      %gather3A_148 = tpu.vector_load_idx %arg8[%get3A_146] : memref<10000xf32, #tpu.memory_space<vmem>>[vector<16xi32>], vector<16xf32>,
      %gather3A_149 = tpu.vector_load_idx %arg9[%get3A_146] : memref<10000xf32, #tpu.memory_space<vmem>>[vector<16xi32>], vector<16xf32>,
      %sub3A_150 = arith.subf %gather3A_148, %gather3A_147 : vector<16xf32>
      %abs3A_151 = math.absf %sub3A_150 : vector<16xf32>
      %gt3A_152 = arith.constant 0.000000e+00 : f32
      %gt3A_153 = vector.broadcast %gt3A_152 : f32 to vector<16xf32>
      %gt3A_154 = arith.cmpf ogt, %gather3A_149, %gt3A_153 : vector<16xf32>
      %neg3A_155 = arith.constant 0.000000e+00 : f32
      %neg3A_156 = vector.broadcast %neg3A_155 : f32 to vector<16xf32>
      %neg3A_157 = arith.subf %neg3A_156, %abs3A_151 : vector<16xf32>
      %select_n3A_158 = arith.select %gt3A_154, %abs3A_151, %neg3A_157 : vector<16xi1>, vector<16xf32>
      %swap3A_159 = arith.index_cast %mul3A_142 : i32 to index
      %swap3A_160 = tpu.vector_load %arg12[%swap3A_159] {strides = array<i32>} : memref<10000xf32, #tpu.memory_space<vmem>>, vector<16xf32>,
      tpu.vector_store %arg12[%swap3A_159], %select_n3A_158 {strides = array<i32>} : memref<10000xf32, #tpu.memory_space<vmem>>, vector<16xf32>,
      %mul3A_161 = arith.constant 4 : i32
      %mul3A_162 = arith.muli %scan3A_88, %mul3A_161 : i32
      %add3A_163 = arith.constant 3 : i32
      %add3A_164 = arith.addi %mul3A_162, %add3A_163 : i32
      %mul3A_165 = arith.constant 16 : i32
      %mul3A_166 = arith.muli %add3A_164, %mul3A_165 : i32
      %get3A_167 = arith.index_cast %mul3A_166 : i32 to index
      %get3A_168 = tpu.vector_load %arg10[%get3A_167] {strides = array<i32>} : memref<10000xi32, #tpu.memory_space<vmem>>, vector<16xi32>,
      %get3A_169 = arith.index_cast %mul3A_166 : i32 to index
      %get3A_170 = tpu.vector_load %arg11[%get3A_169] {strides = array<i32>} : memref<10000xi32, #tpu.memory_space<vmem>>, vector<16xi32>,
      %gather3A_171 = tpu.vector_load_idx %arg8[%get3A_168] : memref<10000xf32, #tpu.memory_space<vmem>>[vector<16xi32>], vector<16xf32>,
      %gather3A_172 = tpu.vector_load_idx %arg8[%get3A_170] : memref<10000xf32, #tpu.memory_space<vmem>>[vector<16xi32>], vector<16xf32>,
      %gather3A_173 = tpu.vector_load_idx %arg9[%get3A_170] : memref<10000xf32, #tpu.memory_space<vmem>>[vector<16xi32>], vector<16xf32>,
      %sub3A_174 = arith.subf %gather3A_172, %gather3A_171 : vector<16xf32>
      %abs3A_175 = math.absf %sub3A_174 : vector<16xf32>
      %gt3A_176 = arith.constant 0.000000e+00 : f32
      %gt3A_177 = vector.broadcast %gt3A_176 : f32 to vector<16xf32>
      %gt3A_178 = arith.cmpf ogt, %gather3A_173, %gt3A_177 : vector<16xf32>
      %neg3A_179 = arith.constant 0.000000e+00 : f32
      %neg3A_180 = vector.broadcast %neg3A_179 : f32 to vector<16xf32>
      %neg3A_181 = arith.subf %neg3A_180, %abs3A_175 : vector<16xf32>
      %select_n3A_182 = arith.select %gt3A_178, %abs3A_175, %neg3A_181 : vector<16xi1>, vector<16xf32>
      %swap3A_183 = arith.index_cast %mul3A_166 : i32 to index
      %swap3A_184 = tpu.vector_load %arg12[%swap3A_183] {strides = array<i32>} : memref<10000xf32, #tpu.memory_space<vmem>>, vector<16xf32>,
      tpu.vector_store %arg12[%swap3A_183], %select_n3A_182 {strides = array<i32>} : memref<10000xf32, #tpu.memory_space<vmem>>, vector<16xf32>,
    }
    %scan3A_62 = arith.constant 156 : i32
    %get3A = arith.constant 9984 : index
    %get3A_63 = tpu.vector_load %arg10[%get3A] {strides = array<i32>} : memref<10000xi32, #tpu.memory_space<vmem>>, vector<16xi32>,
    %get3A_64 = arith.constant 9984 : index
    %get3A_65 = tpu.vector_load %arg11[%get3A_64] {strides = array<i32>} : memref<10000xi32, #tpu.memory_space<vmem>>, vector<16xi32>,
    %gather3A = tpu.vector_load_idx %arg8[%get3A_63] : memref<10000xf32, #tpu.memory_space<vmem>>[vector<16xi32>], vector<16xf32>,
    %gather3A_66 = tpu.vector_load_idx %arg8[%get3A_65] : memref<10000xf32, #tpu.memory_space<vmem>>[vector<16xi32>], vector<16xf32>,
    %gather3A_67 = tpu.vector_load_idx %arg9[%get3A_65] : memref<10000xf32, #tpu.memory_space<vmem>>[vector<16xi32>], vector<16xf32>,
    %sub3A = arith.subf %gather3A_66, %gather3A : vector<16xf32>
    %abs3A = math.absf %sub3A : vector<16xf32>
    %gt3A = arith.constant 0.000000e+00 : f32
    %gt3A_68 = vector.broadcast %gt3A : f32 to vector<16xf32>
    %gt3A_69 = arith.cmpf ogt, %gather3A_67, %gt3A_68 : vector<16xf32>
    %neg3A = arith.constant 0.000000e+00 : f32
    %neg3A_70 = vector.broadcast %neg3A : f32 to vector<16xf32>
    %neg3A_71 = arith.subf %neg3A_70, %abs3A : vector<16xf32>
    %select_n3A = arith.select %gt3A_69, %abs3A, %neg3A_71 : vector<16xi1>, vector<16xf32>
    %swap3A = arith.constant 9984 : index
    %swap3A_72 = tpu.vector_load %arg12[%swap3A] {strides = array<i32>} : memref<10000xf32, #tpu.memory_space<vmem>>, vector<16xf32>,
    tpu.vector_store %arg12[%swap3A], %select_n3A {strides = array<i32>} : memref<10000xf32, #tpu.memory_space<vmem>>, vector<16xf32>,
    %mul3A_73 = arith.constant 160000 : i32
    %mul3A_74 = arith.muli %arg0, %mul3A_73 : i32
    %add3A_75 = arith.addi %mul3A_74, %mul3A_0 : i32
    "tpu.region"() ({
      %run_scoped3A = tpu.sem_alloc : memref<!tpu.dma_semaphore, #tpu.memory_space<semaphore_mem>>
      %dma_start3A_88 = tpu.memref_slice %arg6[%add3A_75] : memref<320000xf32, #tpu.memory_space<hbm>> -> memref<10000xf32, #tpu.memory_space<hbm>>
      %dma_start3A_89 = tpu.memref_slice %arg6[%add3A_75] : memref<320000xf32, #tpu.memory_space<hbm>> -> memref<10000xf32, #tpu.memory_space<hbm>>
      tpu.enqueue_dma source(%arg12 : memref<10000xf32, #tpu.memory_space<vmem>>) target(%dma_start3A_89 : memref<10000xf32, #tpu.memory_space<hbm>>) target_semaphore(%run_scoped3A : memref<!tpu.dma_semaphore, #tpu.memory_space<semaphore_mem>>)
      %dma_wait3A_90 = tpu.memref_slice %arg6[%add3A_75] : memref<320000xf32, #tpu.memory_space<hbm>> -> memref<10000xf32, #tpu.memory_space<hbm>>
      %dma_wait3A_91 = tpu.memref_slice %arg6[%add3A_75] : memref<320000xf32, #tpu.memory_space<hbm>> -> memref<10000xf32, #tpu.memory_space<hbm>>
      tpu.wait_dma2 semaphore(%run_scoped3A : memref<!tpu.dma_semaphore, #tpu.memory_space<semaphore_mem>>) src(%arg12 : memref<10000xf32, #tpu.memory_space<vmem>>) dst(%dma_wait3A_91 : memref<10000xf32, #tpu.memory_space<hbm>>)
      tpu.yield
    }) : () -> ()
    %mul3A_76 = arith.constant 64 : i32
    %mul3A_77 = arith.muli %arg1, %mul3A_76 : i32
    %dma_start3A_78 = tpu.memref_slice %arg13[%mul3A_77] : memref<1024xi32, #tpu.memory_space<vmem>> -> memref<64xi32, #tpu.memory_space<vmem>>
    %dma_start3A_79 = arith.constant 0 : i32
    %dma_start3A_80 = arith.constant 0 : i32
    %dma_start3A_81 = tpu.memref_slice %arg5[%dma_start3A_79, %dma_start3A_80] : memref<10000x128xf32, #tpu.memory_space<hbm>> -> memref<10000x128xf32, #tpu.memory_space<hbm>>
    tpu.enqueue_indirect_dma source(%dma_start3A_81 : memref<10000x128xf32, #tpu.memory_space<hbm>>) target(%arg14 : memref<64x128xf32, #tpu.memory_space<vmem>>) offsets(%dma_start3A_78 : memref<64xi32, #tpu.memory_space<vmem>>) semaphore(%arg15 : memref<!tpu.dma_semaphore, #tpu.memory_space<semaphore_mem>>)
    %dma_wait3A_82 = tpu.memref_slice %arg13[%mul3A_77] : memref<1024xi32, #tpu.memory_space<vmem>> -> memref<64xi32, #tpu.memory_space<vmem>>
    %dma_wait3A_83 = arith.constant 0 : i32
    %dma_wait3A_84 = arith.constant 0 : i32
    %dma_wait3A_85 = tpu.memref_slice %arg5[%dma_wait3A_83, %dma_wait3A_84] : memref<10000x128xf32, #tpu.memory_space<hbm>> -> memref<10000x128xf32, #tpu.memory_space<hbm>>
    tpu.wait_indirect_dma semaphore(%arg15 : memref<!tpu.dma_semaphore, #tpu.memory_space<semaphore_mem>>) src(%dma_wait3A_85 : memref<10000x128xf32, #tpu.memory_space<hbm>>) dst(%arg14 : memref<64x128xf32, #tpu.memory_space<vmem>>)
    %mul3A_86 = arith.constant 64 : i32
    %mul3A_87 = arith.muli %arg1, %mul3A_86 : i32
    "tpu.region"() ({
      %run_scoped3A = tpu.sem_alloc : memref<!tpu.dma_semaphore, #tpu.memory_space<semaphore_mem>>
      %dma_start3A_88 = arith.constant 0 : i32
      %dma_start3A_89 = tpu.memref_slice %arg7[%arg0, %mul3A_87, %dma_start3A_88] : memref<2x1024x128xf32, #tpu.memory_space<hbm>> -> memref<1x64x128xf32, #tpu.memory_space<hbm>>
      %dma_start3A_90 = tpu.memref_squeeze %dma_start3A_89 : memref<1x64x128xf32, #tpu.memory_space<hbm>> -> memref<64x128xf32, #tpu.memory_space<hbm>>
      %dma_start3A_91 = arith.constant 0 : i32
      %dma_start3A_92 = tpu.memref_slice %arg7[%arg0, %mul3A_87, %dma_start3A_91] : memref<2x1024x128xf32, #tpu.memory_space<hbm>> -> memref<1x64x128xf32, #tpu.memory_space<hbm>>
      %dma_start3A_93 = tpu.memref_squeeze %dma_start3A_92 : memref<1x64x128xf32, #tpu.memory_space<hbm>> -> memref<64x128xf32, #tpu.memory_space<hbm>>
      tpu.enqueue_dma source(%arg14 : memref<64x128xf32, #tpu.memory_space<vmem>>) target(%dma_start3A_93 : memref<64x128xf32, #tpu.memory_space<hbm>>) target_semaphore(%run_scoped3A : memref<!tpu.dma_semaphore, #tpu.memory_space<semaphore_mem>>)
      %dma_wait3A_94 = arith.constant 0 : i32
      %dma_wait3A_95 = tpu.memref_slice %arg7[%arg0, %mul3A_87, %dma_wait3A_94] : memref<2x1024x128xf32, #tpu.memory_space<hbm>> -> memref<1x64x128xf32, #tpu.memory_space<hbm>>
      %dma_wait3A_96 = tpu.memref_squeeze %dma_wait3A_95 : memref<1x64x128xf32, #tpu.memory_space<hbm>> -> memref<64x128xf32, #tpu.memory_space<hbm>>
      %dma_wait3A_97 = arith.constant 0 : i32
      %dma_wait3A_98 = tpu.memref_slice %arg7[%arg0, %mul3A_87, %dma_wait3A_97] : memref<2x1024x128xf32, #tpu.memory_space<hbm>> -> memref<1x64x128xf32, #tpu.memory_space<hbm>>
      %dma_wait3A_99 = tpu.memref_squeeze %dma_wait3A_98 : memref<1x64x128xf32, #tpu.memory_space<hbm>> -> memref<64x128xf32, #tpu.memory_space<hbm>>
      tpu.wait_dma2 semaphore(%run_scoped3A : memref<!tpu.dma_semaphore, #tpu.memory_space<semaphore_mem>>) src(%arg14 : memref<64x128xf32, #tpu.memory_space<vmem>>) dst(%dma_wait3A_99 : memref<64x128xf32, #tpu.memory_space<hbm>>)
      tpu.yield
    }) : () -> ()
    return
  }
}

module attributes {stable_mosaic.version = 14 : i64} {
  func.func @_dnet_body(%arg0: memref<10000x128xf32, #tpu.memory_space<vmem>>, %arg1: memref<2x128x16xf32, #tpu.memory_space<vmem>>, %arg2: memref<2x16xf32, #tpu.memory_space<vmem>>, %arg3: memref<2x16x2xf32, #tpu.memory_space<vmem>>, %arg4: memref<2x2xf32, #tpu.memory_space<vmem>>, %arg5: memref<2x10000xf32, #tpu.memory_space<vmem>>) attributes {dimension_semantics = [], scalar_prefetch = 0 : i64, scratch_operands = 0 : i64, tpu.core_type = #tpu.core_type<tc>} {
    %get3A = arith.constant 0 : index
    %get3A_0 = arith.constant 0 : index
    %get3A_1 = vector.load %arg0[%get3A, %get3A_0] : memref<10000x128xf32, #tpu.memory_space<vmem>>, vector<10000x128xf32>
    %get3A_2 = arith.constant 0 : index
    %get3A_3 = arith.constant 0 : index
    %get3A_4 = arith.constant 0 : index
    %get3A_5 = vector.load %arg1[%get3A_2, %get3A_3, %get3A_4] : memref<2x128x16xf32, #tpu.memory_space<vmem>>, vector<1x128x16xf32>
    %get3A_6 = vector.shape_cast %get3A_5 : vector<1x128x16xf32> to vector<128x16xf32>
    %dot_general3A = arith.constant dense<0.000000e+00> : vector<10000x16xf32>
    %dot_general3A_7 = tpu.matmul %get3A_1, %get3A_6, %dot_general3A {dimension_numbers = #tpu.dot_dimension_numbers<[1], [0], [0], [1], [0, 0, 1, 1], [], []>, transpose_lhs_hint = false} : vector<10000x128xf32>, vector<128x16xf32>, vector<10000x16xf32> -> vector<10000x16xf32>
    %get3A_8 = arith.constant 0 : index
    %get3A_9 = arith.constant 0 : index
    %get3A_10 = vector.load %arg2[%get3A_8, %get3A_9] : memref<2x16xf32, #tpu.memory_space<vmem>>, vector<1x16xf32>
    %get3A_11 = vector.shape_cast %get3A_10 : vector<1x16xf32> to vector<16xf32>
    %broadcast_in_dim3A = vector.shape_cast %get3A_11 : vector<16xf32> to vector<1x16xf32>
    %add3A = vector.broadcast %broadcast_in_dim3A : vector<1x16xf32> to vector<10000x16xf32>
    %add3A_12 = arith.addf %dot_general3A_7, %add3A : vector<10000x16xf32>
    %max3A = arith.constant 0.000000e+00 : f32
    %max3A_13 = vector.broadcast %max3A : f32 to vector<10000x16xf32>
    %max3A_14 = arith.maximumf %add3A_12, %max3A_13 : vector<10000x16xf32>
    %get3A_15 = arith.constant 0 : index
    %get3A_16 = arith.constant 0 : index
    %get3A_17 = arith.constant 1 : index
    %get3A_18 = vector.load %arg3[%get3A_15, %get3A_16, %get3A_17] : memref<2x16x2xf32, #tpu.memory_space<vmem>>, vector<1x16x1xf32>
    %get3A_19 = vector.shape_cast %get3A_18 : vector<1x16x1xf32> to vector<16xf32>
    %broadcast_in_dim3A_20 = vector.shape_cast %get3A_19 : vector<16xf32> to vector<1x16xf32>
    %dot_general3A_21 = arith.constant dense<0.000000e+00> : vector<1x10000xf32>
    %dot_general3A_22 = tpu.matmul %broadcast_in_dim3A_20, %max3A_14, %dot_general3A_21 {dimension_numbers = #tpu.dot_dimension_numbers<[1], [1], [0], [0], [0, 0, 1, 0], [], []>, transpose_lhs_hint = false} : vector<1x16xf32>, vector<10000x16xf32>, vector<1x10000xf32> -> vector<1x10000xf32>
    %squeeze3A = vector.shape_cast %dot_general3A_22 : vector<1x10000xf32> to vector<10000xf32>
    %get3A_23 = arith.constant 0 : index
    %get3A_24 = arith.constant 1 : index
    %get3A_25 = vector.load %arg4[%get3A_23, %get3A_24] : memref<2x2xf32, #tpu.memory_space<vmem>>, vector<1x1xf32>
    %get3A_26 = vector.extract %get3A_25[0, 0] : f32 from vector<1x1xf32>
    %add3A_27 = vector.broadcast %get3A_26 : f32 to vector<10000xf32>
    %add3A_28 = arith.addf %squeeze3A, %add3A_27 : vector<10000xf32>
    %logistic3A = arith.negf %add3A_28 : vector<10000xf32>
    %logistic3A_29 = math.exp %logistic3A : vector<10000xf32>
    %logistic3A_30 = arith.constant 1.000000e+00 : f32
    %logistic3A_31 = vector.broadcast %logistic3A_30 : f32 to vector<10000xf32>
    %logistic3A_32 = arith.addf %logistic3A_31, %logistic3A_29 : vector<10000xf32>
    %logistic3A_33 = arith.divf %logistic3A_31, %logistic3A_32 : vector<10000xf32>
    %swap3A = arith.constant 0 : index
    %swap3A_34 = arith.constant 0 : index
    %swap3A_35 = vector.load %arg5[%swap3A, %swap3A_34] : memref<2x10000xf32, #tpu.memory_space<vmem>>, vector<1x10000xf32>
    %swap3A_36 = vector.shape_cast %swap3A_35 : vector<1x10000xf32> to vector<10000xf32>
    %swap3A_37 = vector.shape_cast %logistic3A_33 : vector<10000xf32> to vector<1x10000xf32>
    tpu.vector_store %arg5[%swap3A, %swap3A_34], %swap3A_37 {strides = array<i32>} : memref<2x10000xf32, #tpu.memory_space<vmem>>, vector<1x10000xf32>,
    %get3A_38 = arith.constant 1 : index
    %get3A_39 = arith.constant 0 : index
    %get3A_40 = arith.constant 0 : index
    %get3A_41 = vector.load %arg1[%get3A_38, %get3A_39, %get3A_40] : memref<2x128x16xf32, #tpu.memory_space<vmem>>, vector<1x128x16xf32>
    %get3A_42 = vector.shape_cast %get3A_41 : vector<1x128x16xf32> to vector<128x16xf32>
    %dot_general3A_43 = arith.constant dense<0.000000e+00> : vector<10000x16xf32>
    %dot_general3A_44 = tpu.matmul %get3A_1, %get3A_42, %dot_general3A_43 {dimension_numbers = #tpu.dot_dimension_numbers<[1], [0], [0], [1], [0, 0, 1, 1], [], []>, transpose_lhs_hint = false} : vector<10000x128xf32>, vector<128x16xf32>, vector<10000x16xf32> -> vector<10000x16xf32>
    %get3A_45 = arith.constant 1 : index
    %get3A_46 = arith.constant 0 : index
    %get3A_47 = vector.load %arg2[%get3A_45, %get3A_46] : memref<2x16xf32, #tpu.memory_space<vmem>>, vector<1x16xf32>
    %get3A_48 = vector.shape_cast %get3A_47 : vector<1x16xf32> to vector<16xf32>
    %broadcast_in_dim3A_49 = vector.shape_cast %get3A_48 : vector<16xf32> to vector<1x16xf32>
    %add3A_50 = vector.broadcast %broadcast_in_dim3A_49 : vector<1x16xf32> to vector<10000x16xf32>
    %add3A_51 = arith.addf %dot_general3A_44, %add3A_50 : vector<10000x16xf32>
    %max3A_52 = arith.constant 0.000000e+00 : f32
    %max3A_53 = vector.broadcast %max3A_52 : f32 to vector<10000x16xf32>
    %max3A_54 = arith.maximumf %add3A_51, %max3A_53 : vector<10000x16xf32>
    %get3A_55 = arith.constant 1 : index
    %get3A_56 = arith.constant 0 : index
    %get3A_57 = arith.constant 1 : index
    %get3A_58 = vector.load %arg3[%get3A_55, %get3A_56, %get3A_57] : memref<2x16x2xf32, #tpu.memory_space<vmem>>, vector<1x16x1xf32>
    %get3A_59 = vector.shape_cast %get3A_58 : vector<1x16x1xf32> to vector<16xf32>
    %broadcast_in_dim3A_60 = vector.shape_cast %get3A_59 : vector<16xf32> to vector<1x16xf32>
    %dot_general3A_61 = arith.constant dense<0.000000e+00> : vector<1x10000xf32>
    %dot_general3A_62 = tpu.matmul %broadcast_in_dim3A_60, %max3A_54, %dot_general3A_61 {dimension_numbers = #tpu.dot_dimension_numbers<[1], [1], [0], [0], [0, 0, 1, 0], [], []>, transpose_lhs_hint = false} : vector<1x16xf32>, vector<10000x16xf32>, vector<1x10000xf32> -> vector<1x10000xf32>
    %squeeze3A_63 = vector.shape_cast %dot_general3A_62 : vector<1x10000xf32> to vector<10000xf32>
    %get3A_64 = arith.constant 1 : index
    %get3A_65 = arith.constant 1 : index
    %get3A_66 = vector.load %arg4[%get3A_64, %get3A_65] : memref<2x2xf32, #tpu.memory_space<vmem>>, vector<1x1xf32>
    %get3A_67 = vector.extract %get3A_66[0, 0] : f32 from vector<1x1xf32>
    %add3A_68 = vector.broadcast %get3A_67 : f32 to vector<10000xf32>
    %add3A_69 = arith.addf %squeeze3A_63, %add3A_68 : vector<10000xf32>
    %logistic3A_70 = arith.negf %add3A_69 : vector<10000xf32>
    %logistic3A_71 = math.exp %logistic3A_70 : vector<10000xf32>
    %logistic3A_72 = arith.constant 1.000000e+00 : f32
    %logistic3A_73 = vector.broadcast %logistic3A_72 : f32 to vector<10000xf32>
    %logistic3A_74 = arith.addf %logistic3A_73, %logistic3A_71 : vector<10000xf32>
    %logistic3A_75 = arith.divf %logistic3A_73, %logistic3A_74 : vector<10000xf32>
    %swap3A_76 = arith.constant 1 : index
    %swap3A_77 = arith.constant 0 : index
    %swap3A_78 = vector.load %arg5[%swap3A_76, %swap3A_77] : memref<2x10000xf32, #tpu.memory_space<vmem>>, vector<1x10000xf32>
    %swap3A_79 = vector.shape_cast %swap3A_78 : vector<1x10000xf32> to vector<10000xf32>
    %swap3A_80 = vector.shape_cast %logistic3A_75 : vector<10000xf32> to vector<1x10000xf32>
    tpu.vector_store %arg5[%swap3A_76, %swap3A_77], %swap3A_80 {strides = array<i32>} : memref<2x10000xf32, #tpu.memory_space<vmem>>, vector<1x10000xf32>,
    return
  }
}

module attributes {stable_mosaic.version = 14 : i64} {
  func.func @_rho_body(%arg0: memref<2x160000xf32, #tpu.memory_space<vmem>>, %arg1: memref<2x128xf32, #tpu.memory_space<vmem>>) attributes {dimension_semantics = [], scalar_prefetch = 0 : i64, scratch_operands = 0 : i64, tpu.core_type = #tpu.core_type<tc>} {
    %get3A = arith.constant 0 : index
    %get3A_0 = arith.constant 0 : index
    %get3A_1 = vector.load %arg0[%get3A, %get3A_0] : memref<2x160000xf32, #tpu.memory_space<vmem>>, vector<2x160000xf32>
    %abs3A = math.absf %get3A_1 : vector<2x160000xf32>
    %bitcast_convert_type3A = tpu.bitcast %abs3A : vector<2x160000xf32> -> vector<2x160000xi32>
    %broadcast_in_dim3A = arith.constant 0 : i32
    %broadcast_in_dim3A_2 = vector.broadcast %broadcast_in_dim3A : i32 to vector<2x1xi32>
    %broadcast_in_dim3A_3 = arith.constant 1065353216 : i32
    %broadcast_in_dim3A_4 = vector.broadcast %broadcast_in_dim3A_3 : i32 to vector<2x1xi32>
    %scan3A = arith.constant 0 : i32
    %scan3A_5 = arith.constant 31 : i32
    %scan3A_6 = arith.addi %scan3A, %scan3A_5 : i32
    %scan3A_7 = arith.constant 1 : i32
    %scan3A_8:2 = scf.for %scan3A_27 = %scan3A to %scan3A_6 step %scan3A_7 iter_args(%scan3A_28 = %broadcast_in_dim3A_2, %scan3A_29 = %broadcast_in_dim3A_4) -> (vector<2x1xi32>, vector<2x1xi32>)  : i32 {
      %add3A_30 = arith.addi %scan3A_28, %scan3A_29 : vector<2x1xi32>
      %add3A_31 = arith.constant 1 : i32
      %add3A_32 = vector.broadcast %add3A_31 : i32 to vector<2x1xi32>
      %add3A_33 = arith.addi %add3A_30, %add3A_32 : vector<2x1xi32>
      %jit3A_34 = arith.constant 2 : i32
      %div3A = vector.broadcast %jit3A_34 : i32 to vector<2x1xi32>
      %div3A_35 = arith.divsi %add3A_33, %div3A : vector<2x1xi32>
      %sign3A = arith.constant 0 : i32
      %sign3A_36 = vector.broadcast %sign3A : i32 to vector<2x1xi32>
      %sign3A_37 = arith.cmpi sgt, %add3A_33, %sign3A_36 : vector<2x1xi32>
      %sign3A_38 = arith.extui %sign3A_37 : vector<2x1xi1> to vector<2x1xi32>
      %sign3A_39 = arith.constant 0 : i32
      %sign3A_40 = vector.broadcast %sign3A_39 : i32 to vector<2x1xi32>
      %sign3A_41 = arith.cmpi slt, %add3A_33, %sign3A_40 : vector<2x1xi32>
      %sign3A_42 = arith.extui %sign3A_41 : vector<2x1xi1> to vector<2x1xi32>
      %sign3A_43 = arith.subi %sign3A_38, %sign3A_42 : vector<2x1xi32>
      %sign3A_44 = arith.constant 0 : i32
      %sign3A_45 = arith.cmpi sgt, %jit3A_34, %sign3A_44 : i32
      %sign3A_46 = arith.extui %sign3A_45 : i1 to i32
      %sign3A_47 = arith.constant 0 : i32
      %sign3A_48 = arith.cmpi slt, %jit3A_34, %sign3A_47 : i32
      %sign3A_49 = arith.extui %sign3A_48 : i1 to i32
      %sign3A_50 = arith.subi %sign3A_46, %sign3A_49 : i32
      %ne3A = vector.broadcast %sign3A_50 : i32 to vector<2x1xi32>
      %ne3A_51 = arith.cmpi ne, %sign3A_43, %ne3A : vector<2x1xi32>
      %rem3A = vector.broadcast %jit3A_34 : i32 to vector<2x1xi32>
      %rem3A_52 = arith.remsi %add3A_33, %rem3A : vector<2x1xi32>
      %ne3A_53 = arith.constant 0 : i32
      %ne3A_54 = vector.broadcast %ne3A_53 : i32 to vector<2x1xi32>
      %ne3A_55 = arith.cmpi ne, %rem3A_52, %ne3A_54 : vector<2x1xi32>
      %and3A = arith.andi %ne3A_51, %ne3A_55 : vector<2x1xi1>
      %sub3A_56 = arith.constant 1 : i32
      %sub3A_57 = vector.broadcast %sub3A_56 : i32 to vector<2x1xi32>
      %sub3A_58 = arith.subi %div3A_35, %sub3A_57 : vector<2x1xi32>
      %select_n3A_59 = arith.select %and3A, %sub3A_58, %div3A_35 : vector<2x1xi1>, vector<2x1xi32>
      %ge3A = vector.broadcast %select_n3A_59 : vector<2x1xi32> to vector<2x160000xi32>
      %ge3A_60 = arith.cmpi sge, %bitcast_convert_type3A, %ge3A : vector<2x160000xi32>
      %convert_element_type3A_61 = arith.extui %ge3A_60 : vector<2x160000xi1> to vector<2x160000xi32>
      %reduce_sum3A_62 = arith.constant dense<0> : vector<2xi32>
      %reduce_sum3A_63 = vector.multi_reduction <add>, %convert_element_type3A_61, %reduce_sum3A_62 [1] : vector<2x160000xi32> to vector<2xi32>
      %broadcast_in_dim3A_64 = vector.shape_cast %reduce_sum3A_63 : vector<2xi32> to vector<2x1xi32>
      %ge3A_65 = arith.constant 80000 : i32
      %ge3A_66 = vector.broadcast %ge3A_65 : i32 to vector<2x1xi32>
      %ge3A_67 = arith.cmpi sge, %broadcast_in_dim3A_64, %ge3A_66 : vector<2x1xi32>
      %select_n3A_68 = arith.select %ge3A_67, %select_n3A_59, %scan3A_28 : vector<2x1xi1>, vector<2x1xi32>
      %sub3A_69 = arith.constant 1 : i32
      %sub3A_70 = vector.broadcast %sub3A_69 : i32 to vector<2x1xi32>
      %sub3A_71 = arith.subi %select_n3A_59, %sub3A_70 : vector<2x1xi32>
      %select_n3A_72 = arith.select %ge3A_67, %scan3A_29, %sub3A_71 : vector<2x1xi1>, vector<2x1xi32>
      scf.yield %select_n3A_68, %select_n3A_72 : vector<2x1xi32>, vector<2x1xi32>
    }
    %bitcast_convert_type3A_9 = tpu.bitcast %scan3A_8#0 : vector<2x1xi32> -> vector<2x1xf32>
    %gt3A = vector.broadcast %bitcast_convert_type3A_9 : vector<2x1xf32> to vector<2x160000xf32>
    %gt3A_10 = arith.cmpf ogt, %abs3A, %gt3A : vector<2x160000xf32>
    %convert_element_type3A = arith.extui %gt3A_10 : vector<2x160000xi1> to vector<2x160000xi32>
    %convert_element_type3A_11 = arith.sitofp %convert_element_type3A : vector<2x160000xi32> to vector<2x160000xf32>
    %reduce_sum3A = arith.constant dense<0.000000e+00> : vector<2xf32>
    %reduce_sum3A_12 = vector.multi_reduction <add>, %convert_element_type3A_11, %reduce_sum3A [1] : vector<2x160000xf32> to vector<2xf32>
    %broadcast_in_dim3A_13 = vector.shape_cast %reduce_sum3A_12 : vector<2xf32> to vector<2x1xf32>
    %jit3A = arith.constant 0.000000e+00 : f32
    %broadcast_in_dim3A_14 = vector.broadcast %jit3A : f32 to vector<2x160000xf32>
    %select_n3A = arith.select %gt3A_10, %abs3A, %broadcast_in_dim3A_14 : vector<2x160000xi1>, vector<2x160000xf32>
    %reduce_sum3A_15 = arith.constant dense<0.000000e+00> : vector<2xf32>
    %reduce_sum3A_16 = vector.multi_reduction <add>, %select_n3A, %reduce_sum3A_15 [1] : vector<2x160000xf32> to vector<2xf32>
    %broadcast_in_dim3A_17 = vector.shape_cast %reduce_sum3A_16 : vector<2xf32> to vector<2x1xf32>
    %sub3A = arith.constant 8.000000e+04 : f32
    %sub3A_18 = vector.broadcast %sub3A : f32 to vector<2x1xf32>
    %sub3A_19 = arith.subf %sub3A_18, %broadcast_in_dim3A_13 : vector<2x1xf32>
    %mul3A = arith.mulf %bitcast_convert_type3A_9, %sub3A_19 : vector<2x1xf32>
    %add3A = arith.addf %broadcast_in_dim3A_17, %mul3A : vector<2x1xf32>
    %mul3A_20 = arith.constant 1.250000e-05 : f32
    %mul3A_21 = vector.broadcast %mul3A_20 : f32 to vector<2x1xf32>
    %mul3A_22 = arith.mulf %add3A, %mul3A_21 : vector<2x1xf32>
    %broadcast_in_dim3A_23 = vector.shape_cast %mul3A_22 : vector<2x1xf32> to vector<2x1xf32>
    %broadcast_in_dim3A_24 = vector.broadcast %broadcast_in_dim3A_23 : vector<2x1xf32> to vector<2x128xf32>
    %swap3A = arith.constant 0 : index
    %swap3A_25 = arith.constant 0 : index
    %swap3A_26 = vector.load %arg1[%swap3A, %swap3A_25] : memref<2x128xf32, #tpu.memory_space<vmem>>, vector<2x128xf32>
    tpu.vector_store %arg1[%swap3A, %swap3A_25], %broadcast_in_dim3A_24 {strides = array<i32>} : memref<2x128xf32, #tpu.memory_space<vmem>>, vector<2x128xf32>,
    return
  }
}

module attributes {stable_mosaic.version = 14 : i64} {
  func.func @_final_body(%arg0: memref<2x1024x128xf32, #tpu.memory_space<vmem>>, %arg1: memref<2x1024x128xf32, #tpu.memory_space<vmem>>, %arg2: memref<128x128xf32, #tpu.memory_space<vmem>>, %arg3: memref<1024x128xf32, #tpu.memory_space<vmem>>) attributes {dimension_semantics = [], scalar_prefetch = 0 : i64, scratch_operands = 0 : i64, tpu.core_type = #tpu.core_type<tc>} {
    %get3A = arith.constant 0 : index
    %get3A_0 = arith.constant 0 : index
    %get3A_1 = arith.constant 0 : index
    %get3A_2 = vector.load %arg0[%get3A, %get3A_0, %get3A_1] : memref<2x1024x128xf32, #tpu.memory_space<vmem>>, vector<1x1024x128xf32>
    %get3A_3 = vector.shape_cast %get3A_2 : vector<1x1024x128xf32> to vector<1024x128xf32>
    %get3A_4 = arith.constant 1 : index
    %get3A_5 = arith.constant 0 : index
    %get3A_6 = arith.constant 0 : index
    %get3A_7 = vector.load %arg0[%get3A_4, %get3A_5, %get3A_6] : memref<2x1024x128xf32, #tpu.memory_space<vmem>>, vector<1x1024x128xf32>
    %get3A_8 = vector.shape_cast %get3A_7 : vector<1x1024x128xf32> to vector<1024x128xf32>
    %add3A = arith.addf %get3A_3, %get3A_8 : vector<1024x128xf32>
    %mul3A = arith.constant 5.000000e-01 : f32
    %mul3A_9 = vector.broadcast %mul3A : f32 to vector<1024x128xf32>
    %mul3A_10 = arith.mulf %add3A, %mul3A_9 : vector<1024x128xf32>
    %get3A_11 = arith.constant 0 : index
    %get3A_12 = arith.constant 0 : index
    %get3A_13 = arith.constant 0 : index
    %get3A_14 = vector.load %arg1[%get3A_11, %get3A_12, %get3A_13] : memref<2x1024x128xf32, #tpu.memory_space<vmem>>, vector<1x1024x128xf32>
    %get3A_15 = vector.shape_cast %get3A_14 : vector<1x1024x128xf32> to vector<1024x128xf32>
    %add3A_16 = arith.addf %mul3A_10, %get3A_15 : vector<1024x128xf32>
    %get3A_17 = arith.constant 1 : index
    %get3A_18 = arith.constant 0 : index
    %get3A_19 = arith.constant 0 : index
    %get3A_20 = vector.load %arg1[%get3A_17, %get3A_18, %get3A_19] : memref<2x1024x128xf32, #tpu.memory_space<vmem>>, vector<1x1024x128xf32>
    %get3A_21 = vector.shape_cast %get3A_20 : vector<1x1024x128xf32> to vector<1024x128xf32>
    %add3A_22 = arith.addf %add3A_16, %get3A_21 : vector<1024x128xf32>
    %get3A_23 = arith.constant 0 : index
    %get3A_24 = arith.constant 0 : index
    %get3A_25 = vector.load %arg2[%get3A_23, %get3A_24] : memref<128x128xf32, #tpu.memory_space<vmem>>, vector<128x128xf32>
    %dot_general3A = arith.constant dense<0.000000e+00> : vector<1024x128xf32>
    %dot_general3A_26 = tpu.matmul %add3A_22, %get3A_25, %dot_general3A {dimension_numbers = #tpu.dot_dimension_numbers<[1], [1], [0], [0], [0, 0, 1, 0], [], []>, transpose_lhs_hint = false} : vector<1024x128xf32>, vector<128x128xf32>, vector<1024x128xf32> -> vector<1024x128xf32>
    %max3A = arith.constant 0.000000e+00 : f32
    %max3A_27 = vector.broadcast %max3A : f32 to vector<1024x128xf32>
    %max3A_28 = arith.maximumf %dot_general3A_26, %max3A_27 : vector<1024x128xf32>
    %swap3A = arith.constant 0 : index
    %swap3A_29 = arith.constant 0 : index
    %swap3A_30 = vector.load %arg3[%swap3A, %swap3A_29] : memref<1024x128xf32, #tpu.memory_space<vmem>>, vector<1024x128xf32>
    tpu.vector_store %arg3[%swap3A, %swap3A_29], %max3A_28 {strides = array<i32>} : memref<1024x128xf32, #tpu.memory_space<vmem>>, vector<1024x128xf32>,
    return
  }
}

</mosaic_0001>

<sc_bundles>
// kernel: kernel.10.cloned.1.call-start
scs
__scs_entry_jumppad:
0x0: {  	(pc) =	sbr.rel $0x88, $3  }
0x1: {  	(tag) =	ssettag $0x0;
	lr =	simm.s32 $0x1  }
0x2: {  	[smem:$0x3F99] =	sst lr;
	_ =	strace $0xD0000000  }
0x3: {  	_ = 	snop  }
0x4: {  	_ = 	snop  }
0x5: {  	_ = 	snop  }
0x6: {  	_ = 	snop  }
0x7: {  	_ = 	snop  }
__scs_overlays_trampoline_lowered:
0x8: {  	[smem:$0x3FA8] =	sst s0  }
0x9: {  	[smem:$0x3FA9] =	sst s1  }
0xa: {  	[smem:$0x3FAA] =	sst s2  }
0xb: {  	[smem:$0x3FAB] =	sst s3  }
0xc: {  	[smem:$0x3FAC] =	sst s4  }
0xd: {  	[smem:$0x3FAD] =	sst s5  }
0xe: {  	[smem:$0x3FAE] =	sst s6  }
0xf: {  	[smem:$0x3FAF] =	sst s7  }
0x10: {  	[smem:$0x3FB0] =	sst s8  }
0x11: {  	[smem:$0x3FB1] =	sst s9;
	s0 =	simm.s32 @!p0 $0x0  }
0x12: {  	s1 =	sld [smem:$0x3F97];
	s0 =	simm.s32 @p0 $0x1  }
0x13: {  	[smem:$0x3FB2] =	sst s0;
	s0 =	simm.s32 @!p1 $0x0  }
0x14: {  	s2 =	sld [smem:$0x3F96];
	s0 =	simm.s32 @p1 $0x1  }
0x15: {  	[smem:$0x3FB3] =	sst s0;
	s0 =	simm.s32 @!p2 $0x0  }
0x16: {  	s3 =	sld [smem:$0x3FDB];
	s0 =	simm.s32 @p2 $0x1  }
0x17: {  	s4 =	simm.s32 $0x1BF5;
	[smem:$0x3FB5] =	sst s0  }
0x18: {  	s0 =	sld [smem:$0x3F98];
	_ =	swait.ge [sflag:s4], $0x0  }
0x19: {  	s7 =	sld [smem:$0x3F99]  }
0x1a: {  	s8 =	sadd.s32 $0xFFFFE003, lr  }
0x1b: {  	s9 =	sadd.s32 $0xFFFFFEF7, lr;
	s5 =	simm.s32 $0xFFFFFFFF;
	p2 =	slt.u32 s8, $0xFFFFF086  }
0x1c: {  	p1 =	slt.u32 s9, $0xF7A;
	s5 =	simm.s32 @!p2 $0x0  }
0x1d: {  	s5 =	simm.s32 @p1 $0x1;
	p0 =	seq.s32 s7, s2  }
0x1e: {  	s7 =	smul.u32 @!p0 $0xF7A, s2;
	p2 =	seq.s32 @!p0 s5, $0x0  }
0x1f: {  	s9 =	smul.u32 $0xF7A, s1;
	s8 =	simm.s32 @!p0 $0x1BF5;
	p2 =	por !p2, p0  }
0x20: {  	[sflag:s8] =	ssyncset.s32 @!p0 $0xFFFFF086;
	s6 =	sadd.s32 @!p0 s3, s7;
	s7 =	simm.s32 @!p0 $0x108  }
0x21: {  	s3 =	sadd.s32 s3, s9;
	s6 =	sadd.s32 @!p0 $0x88, s6;
	s7 =	simm.s32 @p2 $0x1082  }
0x22: {  	[simem:s7], [sflag:s8] =	dma.local @!p0 [hbm:s6], $0xF7A  }
0x23: {  	s9 =	sor.u32 $0xD0000000, s2;
	s6 =	simm.s32 $0x108;
	_ =	swait.ge @!p0 [sflag:s8], $0x0  }
0x24: {  	s3 =	sadd.s32 $0x88, s3;
	s6 =	simm.s32 @!p1 $0x1082;
	[sflag:s4] =	ssyncset.s32 $0xFFFFF086  }
0x25: {  	[simem:s6], [sflag:s4] =	dma.local [hbm:s3], $0xF7A  }
0x26: {  	[smem:$0x3F99] =	sst s1;
	(tag) =	ssettag s2;
	_ =	strace s9  }
0x27: {  	s1 =	sld [smem:$0x3FA9]  }
0x28: {  	s2 =	sld [smem:$0x3FAA]  }
0x29: {  	s4 =	sld [smem:$0x3FAC]  }
0x2a: {  	p0 =	seq.s32 s5, $0x0;
	s5 =	sld [smem:$0x3FAD]  }
0x2b: {  	s6 =	sld [smem:$0x3FAE]  }
0x2c: {  	s7 =	sld [smem:$0x3FAF]  }
0x2d: {  	s3 =	simm.s32 $0x108;
	s8 =	sld [smem:$0x3FB0]  }
0x2e: {  	s3 =	simm.s32 @!p0 $0x1082;
	s9 =	sld [smem:$0x3FB1]  }
0x2f: {  	lr =	sadd.s32 s0, s3;
	s0 =	sld [smem:$0x3FA8]  }
0x30: {  	s3 =	sld [smem:$0x3FAB]  }
0x31: {  	[smem:$0x3FB4] =	sst s10  }
0x32: {  	s10 =	sld [smem:$0x3FB2];
	_ =	sdelay $0x3  }
0x33: {  	p0 =	seq.s32 s10, $0x1;
	s10 =	sld [smem:$0x3FB4];
	_ =	sdelay $0x3  }
0x34: {  	[smem:$0x3FB4] =	sst s10  }
0x35: {  	s10 =	sld [smem:$0x3FB3];
	_ =	sdelay $0x3  }
0x36: {  	p1 =	seq.s32 s10, $0x1;
	s10 =	sld [smem:$0x3FB4];
	_ =	sdelay $0x3  }
0x37: {  	[smem:$0x3FB4] =	sst s10  }
0x38: {  	s10 =	sld [smem:$0x3FB5]  }
0x39: {  	_ = 	snop;
	(pc) =	sbr.ind lr, $3  }
0x3a: {  	_ = 	snop  }
0x3b: {  	_ = 	snop  }
0x3c: {  	p2 =	seq.s32 s10, $0x1;
	s10 =	sld [smem:$0x3FB4]  }
0x3d: {  	_ =	shalt  }
0x3e: {  	_ =	shalt  }
0x3f: {  	_ =	shalt  }
0x40: {  	_ =	shalt  }
0x41: {  	_ =	shalt  }
0x42: {  	_ =	shalt  }
0x43: {  	_ =	shalt  }
0x44: {  	_ =	shalt  }
0x45: {  	_ =	shalt  }
0x46: {  	_ =	shalt  }
0x47: {  	_ =	shalt  }
0x48: {  	_ =	shalt  }
0x49: {  	_ =	shalt  }
0x4a: {  	_ =	shalt  }
0x4b: {  	_ =	shalt  }
0x4c: {  	_ =	shalt  }
0x4d: {  	_ =	shalt  }
0x4e: {  	_ =	shalt  }
0x4f: {  	_ =	shalt  }
0x50: {  	_ =	shalt  }
0x51: {  	_ =	shalt  }
0x52: {  	_ =	shalt  }
0x53: {  	_ =	shalt  }
0x54: {  	_ =	shalt  }
0x55: {  	_ =	shalt  }
0x56: {  	_ =	shalt  }
0x57: {  	_ =	shalt  }
0x58: {  	_ =	shalt  }
0x59: {  	_ =	shalt  }
0x5a: {  	_ =	shalt  }
0x5b: {  	_ =	shalt  }
0x5c: {  	_ =	shalt  }
0x5d: {  	_ =	shalt  }
0x5e: {  	_ =	shalt  }
0x5f: {  	_ =	shalt  }
0x60: {  	_ =	shalt  }
0x61: {  	_ =	shalt  }
0x62: {  	_ =	shalt  }
0x63: {  	_ =	shalt  }
0x64: {  	_ =	shalt  }
0x65: {  	_ =	shalt  }
0x66: {  	_ =	shalt  }
0x67: {  	_ =	shalt  }
0x68: {  	_ =	shalt  }
0x69: {  	_ =	shalt  }
0x6a: {  	_ =	shalt  }
0x6b: {  	_ =	shalt  }
0x6c: {  	_ =	shalt  }
0x6d: {  	_ =	shalt  }
0x6e: {  	_ =	shalt  }
0x6f: {  	_ =	shalt  }
0x70: {  	_ =	shalt  }
0x71: {  	_ =	shalt  }
0x72: {  	_ =	shalt  }
0x73: {  	_ =	shalt  }
0x74: {  	_ =	shalt  }
0x75: {  	_ =	shalt  }
0x76: {  	_ =	shalt  }
0x77: {  	_ =	shalt  }
0x78: {  	_ =	shalt  }
0x79: {  	_ =	shalt  }
0x7a: {  	_ =	shalt  }
0x7b: {  	_ =	shalt  }
0x7c: {  	_ =	shalt  }
0x7d: {  	_ =	shalt  }
0x7e: {  	_ =	shalt  }
0x7f: {  	_ =	shalt  }
0x80: {  	_ =	shalt  }
0x81: {  	_ =	shalt  }
0x82: {  	_ =	shalt  }
0x83: {  	_ =	shalt  }
0x84: {  	_ =	shalt  }
0x85: {  	_ =	shalt  }
0x86: {  	_ =	shalt  }
0x87: {  	_ =	shalt  }
.Lfunc_end0:
.L_simem_size_0:
called_computation.1_lowered:
.L_overlay_start_0:
0x88: {  	s2 =	sld [smem:$0x3FD9]  }
0x89: {  	s3 =	sld [smem:$0x3FFE];
	_ =	sdelay $0x1  }
0x8a: {  	s1 =	srdreg.scid  }
0x8b: {  	s0 =	sand.u32 $0x1, s1  }
0x8c: {  	s17 =	sshll.u32 s0, $0xA;
	s2 =	sadd.s32 s3, s2  }
0x8d: {  	s2 =	sadd.s32 s2, s17  }
0x8e: {  	[smem:$0x3FC0] =	sst s2  }
0x8f: {  	_ = 	snop  }
0x90: {  	s2 =	sld [smem:$0x3FC9]  }
0x91: {  	s18 =	sld [smem:$0x3FD0];
	(tm) =	ssettm $0x1  }
0x92: {  	s4 =	sld [smem:$0x3FFB];
	_ =	sdelay $0x3  }
0x93: {  	_ =	strace s4  }
0x94: {  	s4 =	sld [smem:$0x3FFC];
	_ =	sdelay $0x3  }
0x95: {  	_ =	strace s4  }
0x96: {  	s4 =	sld [smem:$0x3FFD];
	_ =	sdelay $0x3  }
0x97: {  	_ =	strace s4  }
0x98: {  	_ =	strace $0x8FFFFFFF  }
0x99: {  	s19 =	sld [smem:$0x3FDB];
	_ =	sdelay $0x1  }
0x9a: {  	s5 =	simm.s32 $_scs_section_size  }
0x9b: {  	s6 =	simm.s32 $_size__tile_overlayer_lowered;
	s7 =	simm.s32 $_tile_overlayer_lowered  }
0x9c: {  	s22 =	simm.s32 $0x1BFF;
	s21 =	sshll.u32 s7, $0x1;
	s4 =	sadd.s32 s5, s19  }
0x9d: {  	s8 =	simm.s32 $0x0;
	s20 =	sshll.u32 s6, $0x1;
	s6 =	sadd.s32 s21, s4  }
0x9e: {  	[timem:s8], [sflag:s22] =	dma.local [hbm:s6], s20  }
0x9f: {  	_ =	swait.ge [sflag:s22], s20  }
0xa0: {  	s5 =	ssub.s32 $0x0, s20;
	[sflag:s22] =	ssyncset.done $0x0  }
0xa1: {  	[sflag:s22] =	ssyncadd.s32 s5;
	_ =	sdelay $0x1  }
0xa2: {  	s23 =	simm.s32 $0x1B8B  }
0xa3: {  	_ =	swait.ge [sflag:s23], $0x1  }
0xa4: {  	[sflag:s23] =	ssyncset.done $0x0  }
0xa5: {  	s25 =	simm.s32 $0x1B8E;
	s24 =	sld [smem:$0x3FFE];
	[sflag:s23] =	ssyncadd.s32 $0xFFFFFFFF  }
0xa6: {  	s26 =	simm.s32 $execute0_lowered;
	[smem:$0x3FD2] =	sst s25  }
0xa7: {  	s6 =	sshll.u32 s26, $0x1;
	_ =	strace $0x80000049;
	[dreg:$0x1] =	wrdreg $0xFFFFFFFF  }
0xa8: {  	s28 =	simm.s32 $_size_execute0_lowered;
	s4 =	sadd.s32 s4, s6;
	[dreg:$0x0] =	wrdreg $0x0  }
0xa9: {  	s6 =	sshll.u32 s28, $0x1;
	[dreg:$0x2] =	wrdreg s4  }
0xaa: {  	[dreg:$0x3] =	wrdreg s6  }
0xab: {  	[dreg:$0x4] =	wrdreg $0xC0  }
0xac: {  	_ =	task [dreg:s8], $0x5FFFF  }
0xad: {  	[dreg:$0x1] =	wrdreg $0xFFFFFFFF  }
0xae: {  	[dreg:$0x0] =	wrdreg $0x60  }
0xaf: {  	[dreg:$0x2] =	wrdreg s18  }
0xb0: {  	[dreg:$0x3] =	wrdreg s24  }
0xb1: {  	[dreg:$0x4] =	wrdreg s2  }
0xb2: {  	[dreg:$0x5] =	wrdreg $0xB8800  }
0xb3: {  	[dreg:$0x6] =	wrdreg $0x9  }
0xb4: {  	_ =	task.clear_ibuf [dreg:s8], $0x7FFFF;
	_ =	strace $0x90000049  }
0xb5: {  	s29 =	simm.s32 $0x9;
	_ =	strace $0x8000004B  }
0xb6: {  	_ =	swait.ge [sflag:s29], $0x1  }
0xb7: {  	[sflag:s29] =	ssyncadd.s32 $0xFFFFFFFF  }
0xb8: {  	_ =	strace $0x9000004B  }
0xb9: {  	_ =	sfence  }
0xba: {  	s30 =	sld [smem:$0x0];
	_ =	sdelay $0x2  }
0xbb: {  	s31 =	sshll.u32 s1, $0xD;
	s1 =	sshrl.u32 s1, $0x2  }
0xbc: {  	s3 =	sand.u32 $0x4000, s31;
	s1 =	sadd.s32 s1, s30  }
0xbd: {  	s0 =	sor.u32 s3, s0;
	s1 =	sshll.u32 s1, $0x11  }
0xbe: {  	s0 =	sor.u32 s1, s0  }
0xbf: {  	s0 =	sadd.s32 $0x8F2B, s0  }
0xc0: {  	[sflag:s0] =	ssyncadd.remote.s32 $0x1  }
0xc1: {  	_ =	sfence.sel $0xFFFF  }
0xc2: {  	[dreg:$0x0] =	wrdreg $0xFFFFFFFF;
	(pc) =	sbr.abs _section_cstart, $3  }
0xc3: {  	[dreg:$0x1] =	wrdreg $0xFFFFFFFF  }
0xc4: {  	_ =	task.clear_ibuf [dreg:s8], $0x2FFFF;
	_ =	strace $0x9FFFFFFF  }
0xc5: {  	(tm) =	ssettm $0x7FFFFFFF  }
tec
execute0_lowered:
.L_overlay_start_1:
0x0: {  	(tag) =	ssettag $0x1  }
0x1: {  	s0 =	rddreg [dreg:$0x0]  }
0x2: {  	s1 =	srdreg.scid;
	s5 =	rddreg [dreg:$0x1]  }
0x3: {  	s11 =	stileid.u32;
	s2 =	rddreg [dreg:$0x2]  }
0x4: {  	s3 =	rddreg [dreg:$0x3];
	s4 =	simm.s32 $0x0;
	s28 =	simm.s32 $0x7880  }
0x5: {  	s29 =	simm.s32 $0x2;
	s1 =	sand.u32 $0x1, s1;
	s6 =	smul.u32 $0x2710, s11  }
0x6: {  	s15 =	sshll.u32 s11, $0x3;
	s9 =	sshll.u32 s11, $0xA;
	s11 =	smul.u32 $0x4E400, s11  }
0x7: {  	s30 =	simm.s32 $0x40;
	[smem:$0x7FF] =	sst s4;
	s7 =	smul.u32 $0x27100, s1  }
0x8: {  	s31 =	simm.s32 $0x7780;
	s8 =	smul.u32 $0x4E200, s1;
	_ =	strace $0x8000004A  }
0x9: {  	s10 =	ssub.s32 $0x2, s1;
	s19 =	sshll.u32 s1, $0x7;
	s21 =	sshll.u32 s1, $0x4  }
0xa: {  	s26 =	sshll.u32 s1, $0xE;
	s1 =	simm.s32 $0x4;
	s16 =	sshrl.u32 s10, $0x1  }
0xb: {  	s20 =	sshrl.u32 s11, $0x2;
	s7 =	sadd.s32 s6, s7;
	s6 =	sadd.s32 s6, s8  }
0xc: {  	s0 =	sadd.s32 s0, s21;
	s8 =	sadd.s32 s15, s5;
	s6 =	sshrl.u32 s6, $0x3  }
0xd: {  	[dreg:$0x8] =	wrdreg s0;
	s7 =	sshrl.u32 s7, $0x3;
	s6 =	sadd.s32 s6, s5  }
0xe: {  	s7 =	sadd.s32 s7, s5;
	s5 =	sadd.s32 s9, s5;
	s17 =	sadd.s32 $0x1E00, s6  }
0xf: {  	s9 =	ssub.s32 s10, s16;
	s6 =	sadd.s32 $0x6C20, s6;
	[dreg:$0x5] =	wrdreg s17  }
0x10: {  	s18 =	sadd.s32 $0x15800, s7;
	s0 =	sadd.s32 s26, s5;
	[dreg:$0x6] =	wrdreg s6  }
0x11: {  	s21 =	smax.u32 s9, $0x1;
	s26 =	simm.s32 $0x1;
	[dreg:$0x7] =	wrdreg s18  }
0x12: {  	s6 =	sadd.s32 s19, s8;
	s8 =	sadd.s32 s20, s3;
	s20 =	sadd.s32 $0x27600, s0  }
0x13: {  	s0 =	simm.s32 $0x3;
	s22 =	sadd.s32 $0x1C00, s6;
	s23 =	sadd.s32 $0x2000, s8  }
.Ltmp0:
0x14: {  	s24 =	sadd.s32 $0x4000, s8;
	s25 =	sadd.s32 $0x6000, s8;
	(pc) =	sbr.rel .LBB2_1-.Ltmp0, $4  }
0x15: {  	s14 =	sadd.s32 $0x8000, s8;
	s15 =	sadd.s32 $0xA000, s8;
	[dreg:$0x9] =	wrdreg s22  }
0x16: {  	s16 =	sadd.s32 $0xC000, s8;
	s17 =	sadd.s32 $0xE000, s8;
	[dreg:$0xa] =	wrdreg s23  }
0x17: {  	s18 =	sadd.s32 $0x10000, s8;
	s19 =	sadd.s32 $0x12000, s8;
	[dreg:$0xb] =	wrdreg s24  }
0x18: {  	v0 =	vimm.f32 $0.0e+00;
	v1 =	vimm.s32 $0x0;
	v2 =	vimm.s32 $0x2710;
	[dreg:$0xc] =	wrdreg s25;
	s25 =	simm.s32 $0x7700;
	s22 =	simm.s32 $0x0  }
.LBB2_7:
0x19: {  	_ = 	snop  }
.LBB2_10:
0x1a: {  	p0 =	por p0, !p1  }
0x1b: {  	s7 =	sadd.s32 @!p3 $0xFFFFFFC0, s5;
	[sflag:s11] =	ssyncset.done @!p0 $0x0  }
0x1c: {  	s9 =	simm.s32 @!p3 $0x40;
	s10 =	simm.s32 @!p3 $0x9880;
	[sflag:s11] =	ssyncadd.s32 @!p0 $0xFFFFE000  }
0x1d: {  	[tilespmem:s10], [sflag:$0x2] =	stream.indirect.gather @!p3 [hbm4b:s2+s9], $0x80, s7, s9, $0xb8;
	[tilespmem:$0x1F180] =	vst v63  }
0x1e: {  	_ =	swait.ge [sflag:s26], $0x2000  }
0x1f: {  	[sflag:s26] =	ssyncset.done $0x0  }
0x20: {  	[sflag:s26] =	ssyncadd.s32 $0xFFFFE000  }
0x21: {  	v3 =	vld [tilespmem:s24+$0xFFFFFFC0];
	_ =	sdelay $0x4  }
0x22: {  	[tilespmem:$0x7780] =	vst v3  }
0x23: {  	v3 =	vld [tilespmem:s24+$0xFFFFFFD0];
	_ =	sdelay $0x4  }
0x24: {  	[tilespmem:$0x7790] =	vst v3  }
0x25: {  	v3 =	vld [tilespmem:s24+$0xFFFFFFE0];
	_ =	sdelay $0x4  }
0x26: {  	[tilespmem:$0x77A0] =	vst v3  }
0x27: {  	v3 =	vld [tilespmem:s24+$0xFFFFFFF0];
	_ =	sdelay $0x4  }
0x28: {  	p0 =	por p3, p3;
	[tilespmem:$0x77B0] =	vst v3  }
0x29: {  	[spmem:s3] =	stream.indirect.scatter.add.f32 [tilespmem:s28], [sflag:$0x4], $0x80, s31, s30, $0xb8;
	[tilespmem:$0x1F180] =	vst v63  }
0x2a: {  	p1 =	sge.s32 @!p0 s6, s23;
	_ =	swait.ge [sflag:s1], $0x2000  }
0x2b: {  	s6 =	simm.s32 @!p0 $0x2;
	p1 =	por p1, p0;
	[sflag:s1] =	ssyncset.done $0x0  }
0x2c: {  	s7 =	simm.s32 @!p1 $0x40;
	s11 =	simm.s32 @!p1 $0x7880;
	[sflag:s1] =	ssyncadd.s32 $0xFFFFE000  }
0x2d: {  	[tilespmem:s11], [sflag:$0x1] =	stream.indirect.gather @!p1 [hbm4b:s2+s7], $0x80, s5, s7, $0xb8;
	[tilespmem:$0x1F180] =	vst v63  }
0x2e: {  	_ =	swait.ge @!p0 [sflag:s6], $0x2000  }
0x2f: {  	[sflag:s6] =	ssyncset.done @!p0 $0x0  }
0x30: {  	[sflag:s6] =	ssyncadd.s32 @!p0 $0xFFFFE000  }
0x31: {  	v3 =	vld @!p0 [tilespmem:s24+$0x0];
	_ =	sdelay $0x4  }
0x32: {  	[tilespmem:$0x7800] =	vst @!p0 v3  }
0x33: {  	v3 =	vld @!p0 [tilespmem:s24+$0x10];
	_ =	sdelay $0x4  }
0x34: {  	[tilespmem:$0x7810] =	vst @!p0 v3  }
0x35: {  	v3 =	vld @!p0 [tilespmem:s24+$0x20];
	_ =	sdelay $0x4  }
0x36: {  	[tilespmem:$0x7820] =	vst @!p0 v3  }
0x37: {  	v3 =	vld @!p0 [tilespmem:s24+$0x30];
	_ =	sdelay $0x4  }
0x38: {  	s5 =	simm.s32 @!p0 $0x7800;
	s6 =	simm.s32 @!p0 $0x3;
	[tilespmem:$0x7830] =	vst @!p0 v3  }
0x39: {  	[spmem:s3] =	stream.indirect.scatter.add.f32 @!p0 [tilespmem:s10], [sflag:$0x3], $0x80, s5, s9, $0xb8;
	[tilespmem:$0x1F180] =	vst v63  }
0x3a: {  	_ =	swait.ge @!p0 [sflag:s6], $0x2000  }
0x3b: {  	[sflag:s6] =	ssyncset.done @!p0 $0x0  }
0x3c: {  	[sflag:s6] =	ssyncadd.s32 @!p0 $0xFFFFE000  }
.LBB2_11:
0x3d: {  	[bflag:$0x0] =	sbarrier.arrive $0xFFFF  }
0x3e: {  	[tilespmem:s28], [sflag:$0x1] =	stream.indirect.gather [spmem:s3], $0x80, s25, s30, $0xb8;
	[tilespmem:$0x1F180] =	vst v63  }
0x3f: {  	s22 =	sadd.s32 $0x1, s22;
	_ =	swait.ge [sflag:s26], $0x2000  }
0x40: {  	p0 =	sne.s32 s22, s21;
	[sflag:s26] =	ssyncset.done $0x0  }
.Ltmp1:
0x41: {  	[sflag:s26] =	ssyncadd.s32 $0xFFFFE000;
	(pc) =	sbr.rel @!p0 .LBB2_12-.Ltmp1, $4  }
0x42: {  	[hbm4b:s20+s4] =	stream.linear.scatter [tilespmem:s28], [sflag:$0x3], $0x2000, $0x38;
	[tilespmem:$0x1F180] =	vst v63  }
0x43: {  	_ =	swait.ge [sflag:s0], $0x2000  }
0x44: {  	[sflag:s0] =	ssyncset.done $0x0  }
0x45: {  	[sflag:s0] =	ssyncadd.s32 $0xFFFFE000  }
.LBB2_1:
0x46: {  	s5 =	rddreg [dreg:$0x5]  }
0x47: {  	[tilespmem:s4], [sflag:$0x1] =	stream.linear.gather [hbm4b:s5+s4], $0x2710, $0x38;
	[tilespmem:$0x1F180] =	vst v63  }
0x48: {  	s10 =	rddreg [dreg:$0x6];
	s6 =	simm.s32 $0x2780  }
0x49: {  	[tilespmem:s6], [sflag:$0x1] =	stream.linear.gather [hbm4b:s10+s4], $0x2710, $0x38;
	[tilespmem:$0x1F180] =	vst v63  }
0x4a: {  	s11 =	rddreg [dreg:$0x7];
	s12 =	simm.s32 $0x4F00  }
0x4b: {  	[tilespmem:s12], [sflag:$0x1] =	stream.linear.gather [hbm4b:s11+s4], $0x2710, $0x38;
	[tilespmem:$0x1F180] =	vst v63  }
0x4c: {  	s13 =	rddreg [dreg:$0x8];
	s23 =	simm.s32 $0x7680  }
0x4d: {  	[tilespmem:s23], [sflag:$0x1] =	stream.linear.gather [hbm4b:s13+s4], $0x10, $0x38;
	[tilespmem:$0x1F180] =	vst v63  }
0x4e: {  	s24 =	rddreg [dreg:$0x9]  }
0x4f: {  	[tilespmem:s25], [sflag:$0x1] =	stream.linear.gather [hbm4b:s24+s4], $0x40, $0x38;
	[tilespmem:$0x1F180] =	vst v63  }
0x50: {  	_ =	swait.ge [sflag:s26], $0x2710  }
0x51: {  	[sflag:s26] =	ssyncset.done $0x0  }
0x52: {  	[sflag:s26] =	ssyncadd.s32 $0xFFFFD8F0  }
0x53: {  	_ =	swait.ge [sflag:s26], $0x2710  }
0x54: {  	[sflag:s26] =	ssyncset.done $0x0  }
0x55: {  	[sflag:s26] =	ssyncadd.s32 $0xFFFFD8F0  }
0x56: {  	_ =	swait.ge [sflag:s26], $0x2710  }
0x57: {  	[sflag:s26] =	ssyncset.done $0x0  }
0x58: {  	[sflag:s26] =	ssyncadd.s32 $0xFFFFD8F0  }
0x59: {  	_ =	swait.ge [sflag:s26], $0x10  }
0x5a: {  	[sflag:s26] =	ssyncset.done $0x0  }
0x5b: {  	[sflag:s26] =	ssyncadd.s32 $0xFFFFFFF0  }
0x5c: {  	_ =	swait.ge [sflag:s26], $0x40  }
0x5d: {  	[sflag:s26] =	ssyncset.done $0x0  }
0x5e: {  	s5 =	simm.s32 $0x0;
	s6 =	simm.s32 $0x200;
	[sflag:s26] =	ssyncadd.s32 $0xFFFFFFC0  }
.LBB2_2:
0x5f: {  	p0 =	sne.s32 s6, $0x7E00;
	[tilespmem:s5+$0x78F0] =	vst v0  }
0x60: {  	[tilespmem:s5+$0x7880] =	vst v0  }
0x61: {  	[tilespmem:s5+$0x7890] =	vst v0  }
.Ltmp2:
0x62: {  	[tilespmem:s5+$0x78A0] =	vst v0;
	(pc) =	sbr.rel @p0 .LBB2_2-.Ltmp2, $4  }
0x63: {  	[tilespmem:s5+$0x78B0] =	vst v0  }
0x64: {  	[tilespmem:s5+$0x78C0] =	vst v0  }
0x65: {  	[tilespmem:s5+$0x78D0] =	vst v0  }
0x66: {  	[tilespmem:s5+$0x78E0] =	vst v0;
	s5 =	sshra.s32 s6, $0x2;
	s6 =	sadd.s32 $0x200, s6  }
0x67: {  	[tilespmem:s5+$0x78F0] =	vst v0  }
0x68: {  	[tilespmem:s5+$0x7880] =	vst v0  }
0x69: {  	[tilespmem:s5+$0x7890] =	vst v0  }
0x6a: {  	[tilespmem:s5+$0x78A0] =	vst v0  }
0x6b: {  	[tilespmem:s5+$0x78B0] =	vst v0  }
0x6c: {  	[tilespmem:s5+$0x78C0] =	vst v0  }
0x6d: {  	[tilespmem:s5+$0x78D0] =	vst v0  }
0x6e: {  	[tilespmem:s5+$0x78E0] =	vst v0  }
0x6f: {  	[spmem:s8] =	stream.linear.scatter [tilespmem:s28], [sflag:$0x2], $0x2000, $0x38;
	[tilespmem:$0x1F180] =	vst v63  }
0x70: {  	s7 =	rddreg [dreg:$0xa]  }
0x71: {  	[spmem:s7] =	stream.linear.scatter [tilespmem:s28], [sflag:$0x2], $0x2000, $0x38;
	[tilespmem:$0x1F180] =	vst v63  }
0x72: {  	s9 =	rddreg [dreg:$0xb]  }
0x73: {  	[spmem:s9] =	stream.linear.scatter [tilespmem:s28], [sflag:$0x2], $0x2000, $0x38;
	[tilespmem:$0x1F180] =	vst v63  }
0x74: {  	s10 =	rddreg [dreg:$0xc]  }
0x75: {  	[spmem:s10] =	stream.linear.scatter [tilespmem:s28], [sflag:$0x2], $0x2000, $0x38;
	[tilespmem:$0x1F180] =	vst v63  }
0x76: {  	_ = 	snop  }
0x77: {  	[spmem:s14] =	stream.linear.scatter [tilespmem:s28], [sflag:$0x2], $0x2000, $0x38;
	[tilespmem:$0x1F180] =	vst v63  }
0x78: {  	_ = 	snop  }
0x79: {  	[spmem:s15] =	stream.linear.scatter [tilespmem:s28], [sflag:$0x2], $0x2000, $0x38;
	[tilespmem:$0x1F180] =	vst v63  }
0x7a: {  	_ = 	snop  }
0x7b: {  	[spmem:s16] =	stream.linear.scatter [tilespmem:s28], [sflag:$0x2], $0x2000, $0x38;
	[tilespmem:$0x1F180] =	vst v63  }
0x7c: {  	_ = 	snop  }
0x7d: {  	[spmem:s17] =	stream.linear.scatter [tilespmem:s28], [sflag:$0x2], $0x2000, $0x38;
	[tilespmem:$0x1F180] =	vst v63  }
0x7e: {  	_ = 	snop  }
0x7f: {  	[spmem:s18] =	stream.linear.scatter [tilespmem:s28], [sflag:$0x2], $0x2000, $0x38;
	[tilespmem:$0x1F180] =	vst v63  }
0x80: {  	_ = 	snop  }
0x81: {  	[spmem:s19] =	stream.linear.scatter [tilespmem:s28], [sflag:$0x2], $0x1900, $0x38;
	[tilespmem:$0x1F180] =	vst v63  }
0x82: {  	_ =	swait.ge [sflag:s29], $0x2000  }
0x83: {  	[sflag:s29] =	ssyncset.done $0x0  }
0x84: {  	[sflag:s29] =	ssyncadd.s32 $0xFFFFE000  }
0x85: {  	_ =	swait.ge [sflag:s29], $0x2000  }
0x86: {  	[sflag:s29] =	ssyncset.done $0x0  }
0x87: {  	[sflag:s29] =	ssyncadd.s32 $0xFFFFE000  }
0x88: {  	_ =	swait.ge [sflag:s29], $0x2000  }
0x89: {  	[sflag:s29] =	ssyncset.done $0x0  }
0x8a: {  	[sflag:s29] =	ssyncadd.s32 $0xFFFFE000  }
0x8b: {  	_ =	swait.ge [sflag:s29], $0x2000  }
0x8c: {  	[sflag:s29] =	ssyncset.done $0x0  }
0x8d: {  	[sflag:s29] =	ssyncadd.s32 $0xFFFFE000  }
0x8e: {  	_ =	swait.ge [sflag:s29], $0x2000  }
0x8f: {  	[sflag:s29] =	ssyncset.done $0x0  }
0x90: {  	[sflag:s29] =	ssyncadd.s32 $0xFFFFE000  }
0x91: {  	_ =	swait.ge [sflag:s29], $0x2000  }
0x92: {  	[sflag:s29] =	ssyncset.done $0x0  }
0x93: {  	[sflag:s29] =	ssyncadd.s32 $0xFFFFE000  }
0x94: {  	_ =	swait.ge [sflag:s29], $0x2000  }
0x95: {  	[sflag:s29] =	ssyncset.done $0x0  }
0x96: {  	[sflag:s29] =	ssyncadd.s32 $0xFFFFE000  }
0x97: {  	_ =	swait.ge [sflag:s29], $0x2000  }
0x98: {  	[sflag:s29] =	ssyncset.done $0x0  }
0x99: {  	[sflag:s29] =	ssyncadd.s32 $0xFFFFE000  }
0x9a: {  	_ =	swait.ge [sflag:s29], $0x2000  }
0x9b: {  	[sflag:s29] =	ssyncset.done $0x0  }
0x9c: {  	[sflag:s29] =	ssyncadd.s32 $0xFFFFE000  }
0x9d: {  	_ =	swait.ge [sflag:s29], $0x1900  }
0x9e: {  	[sflag:s29] =	ssyncset.done $0x0  }
0x9f: {  	s11 =	simm.s32 $0x0;
	[sflag:s29] =	ssyncadd.s32 $0xFFFFE700  }
0xa0: {  	v4 =	vld [tilespmem:s11+$0x4F00]  }
0xa1: {  	v3 =	vld [tilespmem:$0x7680]  }
0xa2: {  	v5 =	vld [tilespmem:s11+$0x4F10];
	_ =	sdelay $0x1  }
0xa3: {  	v6 =	vld [tilespmem:s11+$0x4F20];
	_ =	sdelay $0x1  }
0xa4: {  	v8 =	vld [tilespmem:s11+$0x4F30];
	v7 =	vand.u32 $0x7FFFFFFF, v4  }
0xa5: {  	vm0 =	vgt.s32 v4, $0xFFFFFFFF;
	v4 =	vand.u32 $0x7FFFFFFF, v5;
	vm1 =	vlt.f32 v7, v3  }
0xa6: {  	vm2 =	vlt.f32 v4, v3;
	vm1 =	vmand vm0, vm1  }
0xa7: {  	v4 =	vand.u32 $0x7FFFFFFF, v6;
	vm0 =	vgt.s32 v5, $0xFFFFFFFF;
	v7 =	vsel vm1, $0x1, v1  }
0xa8: {  	vm3 =	vlt.f32 v4, v3;
	vm2 =	vmand vm0, vm2;
	(xrf0) =	vadd.scan.msk.s32 $0xffff, v7  }
0xa9: {  	v4 =	vand.u32 $0x7FFFFFFF, v8;
	vm0 =	vgt.s32 v6, $0xFFFFFFFF;
	v5 =	vsel vm2, $0x1, v1  }
0xaa: {  	vm4 =	vlt.f32 v4, v3;
	vm3 =	vmand vm0, vm3;
	vm0 =	vgt.s32 v8, $0xFFFFFFFF;
	(xrf0) =	vadd.scan.msk.s32 $0xffff, v5  }
0xab: {  	v4 =	vsel vm3, $0x1, v1;
	vm0 =	vmand vm0, vm4  }
0xac: {  	v5 =	vsel vm0, $0x1, v1;
	(xrf0) =	vadd.scan.msk.s32 $0xffff, v4  }
0xad: {  	(xrf0) =	vadd.scan.msk.s32 $0xffff, v5  }
0xae: {  	v4, _, _ =	vpop (xrf0)  }
0xaf: {  	(v2sf) =	vpush v4, $0xF  }
0xb0: {  	v4, _, _ =	vpop (xrf0)  }
0xb1: {  	(v2sf) =	vpush v4, $0xF  }
0xb2: {  	v4, _, _ =	vpop (xrf0)  }
0xb3: {  	(v2sf) =	vpush v4, $0xF;
	v4, _, _ =	vpop (xrf0)  }
0xb4: {  	(v2sf) =	vpush v4, $0xF;
	_ =	sdelay $0x2  }
0xb5: {  	v63 =	vld [tilespmem:s11+$0x2780]  }
0xb6: {  	v9 =	vld [tilespmem:s11+$0x10]  }
0xb7: {  	v7 =	vld [tilespmem:s11+$0x0]  }
0xb8: {  	v10 =	vld [tilespmem:s11+$0x2790]  }
0xb9: {  	v11 =	vld [tilespmem:s11+$0x20]  }
0xba: {  	v6 =	vld [tilespmem:s11+$0x27A0]  }
0xbb: {  	s6 =	simm.s32 $0x0;
	v5 =	vld [tilespmem:s11+$0x30]  }
0xbc: {  	v4 =	vld [tilespmem:s11+$0x27B0];
	[tilespmem:s6+$0x0] =	vst.msk vm1, v7;
	s12 =	spop (v2sf)  }
0xbd: {  	[tilespmem:s6+$0x2780] =	vst.msk vm1, v63;
	s5 =	sadd.s32 $0x0, s12  }
0xbe: {  	s13 =	spop (v2sf);
	[tilespmem:s5+$0x0] =	vst.msk vm2, v9  }
0xbf: {  	[tilespmem:s5+$0x2780] =	vst.msk vm2, v10;
	s5 =	sadd.s32 s5, s13  }
0xc0: {  	s23 =	spop (v2sf);
	[tilespmem:s5+$0x0] =	vst.msk vm3, v11  }
0xc1: {  	s24 =	spop (v2sf);
	s10 =	sadd.s32 s5, s23;
	[tilespmem:s5+$0x2780] =	vst.msk vm3, v6  }
0xc2: {  	s7 =	simm.s32 $0x200;
	s6 =	simm.s32 $0x100;
	s5 =	sadd.s32 s10, s24;
	[tilespmem:s10+$0x0] =	vst.msk vm0, v5  }
.LBB2_4:
0xc3: {  	p0 =	sne.s32 s7, $0x9B00  }
0xc4: {  	s9 =	sshra.s32 s6, $0x2;
	[tilespmem:s10+$0x2780] =	vst.msk vm0, v4;
	s6 =	smov.u32 s7;
	s7 =	sadd.s32 $0x100, s7  }
0xc5: {  	v4 =	vld [tilespmem:s9+$0x4F00];
	_ =	sdelay $0x1  }
0xc6: {  	v5 =	vld [tilespmem:s9+$0x4F10];
	_ =	sdelay $0x1  }
0xc7: {  	v6 =	vld [tilespmem:s9+$0x4F20]  }
0xc8: {  	v7 =	vand.u32 $0x7FFFFFFF, v4;
	v8 =	vld [tilespmem:s9+$0x4F30]  }
0xc9: {  	vm0 =	vgt.s32 v4, $0xFFFFFFFF;
	vm1 =	vlt.f32 v7, v3  }
0xca: {  	vm1 =	vmand vm0, vm1;
	v4 =	vand.u32 $0x7FFFFFFF, v5  }
0xcb: {  	vm0 =	vgt.s32 v5, $0xFFFFFFFF;
	v7 =	vsel vm1, $0x1, v1;
	vm2 =	vlt.f32 v4, v3  }
0xcc: {  	vm2 =	vmand vm0, vm2;
	vm0 =	vgt.s32 v6, $0xFFFFFFFF;
	v4 =	vand.u32 $0x7FFFFFFF, v6;
	(xrf0) =	vadd.scan.msk.s32 $0xffff, v7  }
0xcd: {  	v5 =	vsel vm2, $0x1, v1;
	vm3 =	vlt.f32 v4, v3;
	v4 =	vand.u32 $0x7FFFFFFF, v8  }
0xce: {  	vm3 =	vmand vm0, vm3;
	vm0 =	vgt.s32 v8, $0xFFFFFFFF;
	vm4 =	vlt.f32 v4, v3;
	(xrf0) =	vadd.scan.msk.s32 $0xffff, v5  }
0xcf: {  	v4 =	vsel vm3, $0x1, v1;
	vm0 =	vmand vm0, vm4  }
0xd0: {  	v5 =	vsel vm0, $0x1, v1;
	(xrf0) =	vadd.scan.msk.s32 $0xffff, v4  }
0xd1: {  	(xrf0) =	vadd.scan.msk.s32 $0xffff, v5  }
0xd2: {  	v4, _, _ =	vpop (xrf0)  }
0xd3: {  	(v2sf) =	vpush v4, $0xF  }
0xd4: {  	v4, _, _ =	vpop (xrf0)  }
0xd5: {  	(v2sf) =	vpush v4, $0xF  }
0xd6: {  	v4, _, _ =	vpop (xrf0)  }
0xd7: {  	(v2sf) =	vpush v4, $0xF;
	v4, _, _ =	vpop (xrf0)  }
0xd8: {  	(v2sf) =	vpush v4, $0xF;
	_ =	sdelay $0x1  }
0xd9: {  	v4 =	vld [tilespmem:s9+$0x27B0]  }
0xda: {  	v5 =	vld [tilespmem:s9+$0x30]  }
0xdb: {  	v6 =	vld [tilespmem:s9+$0x27A0]  }
0xdc: {  	v7 =	vld [tilespmem:s9+$0x0]  }
0xdd: {  	v8 =	vld [tilespmem:s9+$0x2780]  }
0xde: {  	v9 =	vld [tilespmem:s9+$0x10]  }
0xdf: {  	v10 =	vld [tilespmem:s9+$0x2790]  }
0xe0: {  	v11 =	vld [tilespmem:s9+$0x20]  }
0xe1: {  	[tilespmem:s5+$0x0] =	vst.msk vm1, v7;
	s9 =	spop (v2sf)  }
0xe2: {  	[tilespmem:s5+$0x2780] =	vst.msk vm1, v8;
	s5 =	sadd.s32 s5, s9  }
.Ltmp3:
0xe3: {  	[tilespmem:s5+$0x0] =	vst.msk vm2, v9;
	s9 =	spop (v2sf);
	(pc) =	sbr.rel @p0 .LBB2_4-.Ltmp3, $4  }
0xe4: {  	[tilespmem:s5+$0x2780] =	vst.msk vm2, v10;
	s5 =	sadd.s32 s5, s9  }
0xe5: {  	[tilespmem:s5+$0x0] =	vst.msk vm3, v11;
	s9 =	spop (v2sf)  }
0xe6: {  	[tilespmem:s5+$0x2780] =	vst.msk vm3, v6;
	s10 =	sadd.s32 s5, s9;
	s5 =	spop (v2sf)  }
0xe7: {  	[tilespmem:s10+$0x0] =	vst.msk vm0, v5;
	s5 =	sadd.s32 s10, s5  }
0xe8: {  	s6 =	sshra.s32 s6, $0x2;
	[tilespmem:s10+$0x2780] =	vst.msk vm0, v4  }
0xe9: {  	v4 =	vld [tilespmem:s6+$0x4F00];
	_ =	sdelay $0x1  }
0xea: {  	v5 =	vld [tilespmem:s6+$0x4F10];
	_ =	sdelay $0x1  }
0xeb: {  	v6 =	vld [tilespmem:s6+$0x4F20]  }
0xec: {  	v7 =	vand.u32 $0x7FFFFFFF, v4  }
0xed: {  	vm9 =	vgt.s32 v4, $0xFFFFFFFF;
	vm1 =	vlt.f32 v7, v3  }
0xee: {  	v47 =	vand.u32 $0x7FFFFFFF, v5;
	vm1 =	vmand vm9, vm1  }
0xef: {  	vm10 =	vgt.s32 v5, $0xFFFFFFFF;
	vm2 =	vlt.f32 v47, v3;
	v48 =	vsel vm1, $0x1, v1  }
0xf0: {  	v49 =	vand.u32 $0x7FFFFFFF, v6;
	vm2 =	vmand vm10, vm2;
	(xrf0) =	vadd.scan.msk.s32 $0xffff, v48  }
0xf1: {  	vm11 =	vgt.s32 v6, $0xFFFFFFFF;
	vm3 =	vlt.f32 v49, v3;
	v50 =	vsel vm2, $0x1, v1  }
0xf2: {  	vm0 =	vmand vm11, vm3;
	(xrf0) =	vadd.scan.msk.s32 $0xffff, v50  }
0xf3: {  	v51 =	vsel vm0, $0x1, v1  }
0xf4: {  	(xrf0) =	vadd.scan.msk.s32 $0xffff, v51;
	_ =	sdelay $0x1  }
0xf5: {  	v52, _, _ =	vpop (xrf0)  }
0xf6: {  	(v2sf) =	vpush v52, $0xF  }
0xf7: {  	v53, _, _ =	vpop (xrf0)  }
0xf8: {  	(v2sf) =	vpush v53, $0xF  }
0xf9: {  	v54, _, _ =	vpop (xrf0)  }
0xfa: {  	(v2sf) =	vpush v54, $0xF;
	_ =	sdelay $0x2  }
0xfb: {  	v55 =	vld [tilespmem:s6+$0x4F30]  }
0xfc: {  	v56 =	vld [tilespmem:s6+$0x27B0]  }
0xfd: {  	v57 =	vld [tilespmem:s6+$0x30]  }
0xfe: {  	v8 =	vld [tilespmem:s6+$0x0]  }
0xff: {  	v9 =	vld [tilespmem:s6+$0x2780]  }
0x100: {  	v10 =	vld [tilespmem:s6+$0x10]  }
0x101: {  	v11 =	vld [tilespmem:s6+$0x2790]  }
0x102: {  	v12 =	vld [tilespmem:s6+$0x20]  }
0x103: {  	v58 =	vld [tilespmem:s6+$0x27A0];
	[tilespmem:s5+$0x0] =	vst.msk vm1, v8;
	s13 =	spop (v2sf)  }
0x104: {  	[tilespmem:s5+$0x2780] =	vst.msk vm1, v9;
	s23 =	sadd.s32 s5, s13  }
0x105: {  	s24 =	spop (v2sf);
	[tilespmem:s23+$0x0] =	vst.msk vm2, v10  }
0x106: {  	v59 =	vand.u32 $0x7FFFFFFF, v55;
	s5 =	sadd.s32 s23, s24;
	[tilespmem:s23+$0x2780] =	vst.msk vm2, v11  }
0x107: {  	vm12 =	vgt.s32 v55, $0xFFFFFFFF;
	vm13 =	vlt.f32 v59, v3;
	s7 =	spop (v2sf);
	[tilespmem:s5+$0x0] =	vst.msk vm0, v12  }
0x108: {  	vm1 =	vmand vm12, vm13;
	[tilespmem:s5+$0x2780] =	vst.msk vm0, v58;
	s5 =	sadd.s32 s5, s7  }
0x109: {  	[tilespmem:s5+$0x0] =	vst.msk vm1, v57  }
0x10a: {  	[tilespmem:s5+$0x2780] =	vst.msk vm1, v56  }
0x10b: {  	v60 =	vld [tilespmem:$0x7600];
	_ =	sdelay $0x4  }
0x10c: {  	v61 =	vand.u32 $0x7FFFFFFF, v60  }
0x10d: {  	v62 =	vsel vm1, $0x1, v1;
	vm14 =	vgt.s32 v60, $0xFFFFFFFF;
	vm15 =	vlt.f32 v61, v3  }
0x10e: {  	(xrf0) =	vadd.scan.msk.s32 $0xffff, v62;
	vm0 =	vmand vm14, vm15  }
0x10f: {  	v3 =	vsel vm0, $0x1, v1  }
0x110: {  	(xrf0) =	vadd.scan.msk.s32 $0xffff, v3;
	_ =	sdelay $0x3  }
0x111: {  	v3, _, _ =	vpop (xrf0)  }
0x112: {  	(v2sf) =	vpush v3, $0xF  }
0x113: {  	v3, _, _ =	vpop (xrf0)  }
0x114: {  	(v2sf) =	vpush v3, $0xF;
	_ =	sdelay $0x9  }
0x115: {  	v3 =	vld [tilespmem:$0x2700]  }
0x116: {  	v63 =	vld [tilespmem:$0x4E80];
	_ =	sdelay $0x1  }
0x117: {  	s9 =	spop (v2sf)  }
0x118: {  	s5 =	sadd.s32 s5, s9  }
0x119: {  	[tilespmem:s5+$0x0] =	vst.msk vm0, v3;
	s10 =	spop (v2sf)  }
0x11a: {  	[tilespmem:s5+$0x2780] =	vst.msk vm0, v63;
	s5 =	sadd.s32 s5, s10  }
0x11b: {  	[tilespmem:s5+$0x0] =	vst v1  }
0x11c: {  	[tilespmem:s5+$0x2780] =	vst v2  }
0x11d: {  	[tilespmem:s5+$0x10] =	vst v1;
	s6 =	sadd.s32 $0x3F, s5  }
0x11e: {  	[tilespmem:s5+$0x2790] =	vst v2;
	s7 =	sand.u32 $0x3F, s6  }
0x11f: {  	[tilespmem:s5+$0x20] =	vst v1;
	s9 =	sshra.s32 s6, $0x1F;
	p0 =	slt.s32 s6, $0x1;
	p1 =	sne.s32 s7, $0x0  }
0x120: {  	[tilespmem:s5+$0x27A0] =	vst v2;
	s11 =	sshrl.u32 s9, $0x1A;
	p0 =	por !p0, !p1  }
0x121: {  	[tilespmem:s5+$0x30] =	vst v1;
	s7 =	simm.s32 $0x1;
	s6 =	sadd.s32 s11, s6;
	p0 =	por !p0, !p0  }
0x122: {  	[tilespmem:s5+$0x27B0] =	vst v2;
	s6 =	sshra.s32 s6, $0x6;
	s7 =	simm.s32 @!p0 $0x0  }
0x123: {  	[tilespmem:s5+$0x40] =	vst v1;
	s23 =	ssub.s32 s6, s7  }
0x124: {  	[tilespmem:s5+$0x27C0] =	vst v2;
	p0 =	slt.s32 s23, $0x1  }
0x125: {  	[bflag:$0x0] =	sbarrier.arrive $0xFFFF;
	s12 =	sadd.s32 $0x1, s23;
	s5 =	simm.s32 @!p0 $0x40  }
0x126: {  	s6 =	simm.s32 @!p0 $0x0;
	s7 =	simm.s32 @!p0 $0x7880;
	s13 =	sand.u32 $0x1, s12  }
0x127: {  	[tilespmem:s7], [sflag:$0x1] =	stream.indirect.gather @!p0 [hbm4b:s2+s5], $0x80, s6, s5, $0xb8;
	[tilespmem:$0x1F180] =	vst v63  }
0x128: {  	p5 =	slt.s32 s23, $0x0;
	p6 =	seq.s32 s13, $0x1  }
0x129: {  	s24 =	sshrl.u32 s12, $0x1F;
	p0 =	por !p5, !p6  }
0x12a: {  	s5 =	sadd.s32 s24, s12;
	s6 =	simm.s32 $0x1;
	p0 =	por !p0, !p0  }
0x12b: {  	s5 =	sshra.s32 s5, $0x1;
	s6 =	simm.s32 @!p0 $0x0  }
0x12c: {  	s5 =	ssub.s32 s5, s6  }
0x12d: {  	p0 =	slt.s32 s5, $0x1  }
.Ltmp4:
0x12e: {  	_ = 	snop;
	(pc) =	sbr.rel @p0 .LBB2_11-.Ltmp4, $1  }
0x12f: {  	_ =	sdelay $0x3  }
0x130: {  	s7 =	sadd.s32 $0xFFFFFFFF, s5  }
0x131: {  	p0 =	sne.s32 s7, $0x0  }
.Ltmp5:
0x132: {  	_ = 	snop;
	(pc) =	sbr.rel @!p0 .LBB2_7-.Ltmp5, $3  }
0x133: {  	_ =	sdelay $0x1  }
0x134: {  	s6 =	simm.s32 $0x2;
	s5 =	simm.s32 $0x80  }
0x135: {  	s24 =	simm.s32 $0x27C0;
	p3 =	sle.s32 s23, $0x1;
	p1 =	por $0x0, $0x0  }
0x136: {  	s6 =	simm.s32 @!p3 $0x40;
	s9 =	simm.s32 @!p3 $0x40;
	s10 =	simm.s32 @!p3 $0x9880  }
0x137: {  	[tilespmem:s10], [sflag:$0x2] =	stream.indirect.gather @!p3 [hbm4b:s2+s9], $0x80, s6, s9, $0xb8;
	[tilespmem:$0x1F180] =	vst v63  }
0x138: {  	_ =	swait.ge [sflag:s26], $0x2000  }
0x139: {  	[sflag:s26] =	ssyncset.done $0x0  }
0x13a: {  	[sflag:s26] =	ssyncadd.s32 $0xFFFFE000  }
0x13b: {  	v3 =	vld [tilespmem:s24+$0xFFFFFFC0];
	_ =	sdelay $0x4  }
0x13c: {  	[tilespmem:$0x7780] =	vst v3  }
0x13d: {  	v3 =	vld [tilespmem:s24+$0xFFFFFFD0];
	_ =	sdelay $0x4  }
0x13e: {  	[tilespmem:$0x7790] =	vst v3  }
0x13f: {  	v3 =	vld [tilespmem:s24+$0xFFFFFFE0];
	_ =	sdelay $0x4  }
0x140: {  	[tilespmem:$0x77A0] =	vst v3  }
0x141: {  	v3 =	vld [tilespmem:s24+$0xFFFFFFF0];
	_ =	sdelay $0x4  }
0x142: {  	p0 =	por p3, p3;
	[tilespmem:$0x77B0] =	vst v3  }
0x143: {  	[spmem:s3] =	stream.indirect.scatter.add.f32 [tilespmem:s28], [sflag:$0x4], $0x80, s31, s30, $0xb8;
	[tilespmem:$0x1F180] =	vst v63  }
0x144: {  	p1 =	sle.s32 @!p0 s23, $0x2;
	_ =	swait.ge [sflag:s1], $0x2000  }
0x145: {  	s6 =	simm.s32 @!p0 $0x2;
	p1 =	por p1, p0;
	[sflag:s1] =	ssyncset.done $0x0  }
0x146: {  	s11 =	simm.s32 @!p1 $0x40;
	s12 =	simm.s32 @!p1 $0x7880;
	[sflag:s1] =	ssyncadd.s32 $0xFFFFE000  }
0x147: {  	[tilespmem:s12], [sflag:$0x1] =	stream.indirect.gather @!p1 [hbm4b:s2+s11], $0x80, s5, s11, $0xb8;
	[tilespmem:$0x1F180] =	vst v63  }
0x148: {  	_ =	swait.ge @!p0 [sflag:s6], $0x2000  }
0x149: {  	[sflag:s6] =	ssyncset.done @!p0 $0x0  }
0x14a: {  	[sflag:s6] =	ssyncadd.s32 @!p0 $0xFFFFE000  }
0x14b: {  	v3 =	vld @!p0 [tilespmem:s24+$0x0];
	_ =	sdelay $0x4  }
0x14c: {  	[tilespmem:$0x7800] =	vst @!p0 v3  }
0x14d: {  	v3 =	vld @!p0 [tilespmem:s24+$0x10];
	_ =	sdelay $0x4  }
0x14e: {  	[tilespmem:$0x7810] =	vst @!p0 v3  }
0x14f: {  	v3 =	vld @!p0 [tilespmem:s24+$0x20];
	_ =	sdelay $0x4  }
0x150: {  	[tilespmem:$0x7820] =	vst @!p0 v3  }
0x151: {  	v3 =	vld @!p0 [tilespmem:s24+$0x30]  }
0x152: {  	s7 =	sadd.s32 $0xFFFFFFFF, s7  }
0x153: {  	p2 =	sne.s32 s7, $0x0  }
.Ltmp6:
0x154: {  	_ = 	snop;
	(pc) =	sbr.rel @!p2 .LBB2_10-.Ltmp6, $4  }
0x155: {  	p3 =	sle.s32 s23, $0x3;
	s5 =	simm.s32 @!p0 $0x7800  }
0x156: {  	s11 =	simm.s32 @!p0 $0x3;
	p1 =	por $0x1, $0x1;
	s6 =	simm.s32 $0x4;
	[tilespmem:$0x7830] =	vst @!p0 v3  }
0x157: {  	[spmem:s3] =	stream.indirect.scatter.add.f32 @!p0 [tilespmem:s10], [sflag:$0x3], $0x80, s5, s9, $0xb8;
	[tilespmem:$0x1F180] =	vst v63  }
0x158: {  	s24 =	simm.s32 $0x2840;
	s5 =	simm.s32 $0x100;
	_ =	swait.ge @!p0 [sflag:s11], $0x2000  }
.LBB2_9:
0x159: {  	s12 =	sadd.s32 @!p3 $0xFFFFFFC0, s5;
	s9 =	simm.s32 @!p3 $0x40;
	[sflag:s11] =	ssyncset.done @!p0 $0x0  }
0x15a: {  	s7 =	sadd.s32 $0xFFFFFFFF, s7;
	s10 =	simm.s32 @!p3 $0x9880;
	[sflag:s11] =	ssyncadd.s32 @!p0 $0xFFFFE000  }
0x15b: {  	[tilespmem:s10], [sflag:$0x2] =	stream.indirect.gather @!p3 [hbm4b:s2+s9], $0x80, s12, s9, $0xb8;
	[tilespmem:$0x1F180] =	vst v63  }
0x15c: {  	p2 =	sne.s32 s7, $0x0;
	p0 =	por p3, p3;
	_ =	swait.ge [sflag:s26], $0x2000  }
0x15d: {  	[sflag:s26] =	ssyncset.done $0x0  }
0x15e: {  	[sflag:s26] =	ssyncadd.s32 $0xFFFFE000  }
0x15f: {  	v3 =	vld [tilespmem:s24+$0xFFFFFFC0];
	_ =	sdelay $0x4  }
0x160: {  	[tilespmem:$0x7780] =	vst v3  }
0x161: {  	v3 =	vld [tilespmem:s24+$0xFFFFFFD0];
	_ =	sdelay $0x4  }
0x162: {  	[tilespmem:$0x7790] =	vst v3  }
0x163: {  	v3 =	vld [tilespmem:s24+$0xFFFFFFE0];
	_ =	sdelay $0x4  }
0x164: {  	[tilespmem:$0x77A0] =	vst v3  }
0x165: {  	v3 =	vld [tilespmem:s24+$0xFFFFFFF0];
	_ =	sdelay $0x4  }
0x166: {  	[tilespmem:$0x77B0] =	vst v3  }
0x167: {  	[spmem:s3] =	stream.indirect.scatter.add.f32 [tilespmem:s28], [sflag:$0x4], $0x80, s31, s30, $0xb8;
	[tilespmem:$0x1F180] =	vst v63  }
0x168: {  	p3 =	sge.s32 @!p0 s6, s23;
	_ =	swait.ge [sflag:s1], $0x2000  }
0x169: {  	s11 =	simm.s32 @!p0 $0x2;
	p3 =	por p3, p0;
	[sflag:s1] =	ssyncset.done $0x0  }
0x16a: {  	s12 =	simm.s32 @!p3 $0x40;
	s13 =	simm.s32 @!p3 $0x7880;
	[sflag:s1] =	ssyncadd.s32 $0xFFFFE000  }
0x16b: {  	[tilespmem:s13], [sflag:$0x1] =	stream.indirect.gather @!p3 [hbm4b:s2+s12], $0x80, s5, s12, $0xb8;
	[tilespmem:$0x1F180] =	vst v63  }
0x16c: {  	_ =	swait.ge @!p0 [sflag:s11], $0x2000  }
0x16d: {  	[sflag:s11] =	ssyncset.done @!p0 $0x0  }
0x16e: {  	[sflag:s11] =	ssyncadd.s32 @!p0 $0xFFFFE000  }
0x16f: {  	v3 =	vld @!p0 [tilespmem:s24+$0x0];
	_ =	sdelay $0x4  }
0x170: {  	[tilespmem:$0x7800] =	vst @!p0 v3  }
0x171: {  	v3 =	vld @!p0 [tilespmem:s24+$0x10];
	_ =	sdelay $0x4  }
0x172: {  	[tilespmem:$0x7810] =	vst @!p0 v3  }
0x173: {  	v3 =	vld @!p0 [tilespmem:s24+$0x20];
	_ =	sdelay $0x4  }
0x174: {  	[tilespmem:$0x7820] =	vst @!p0 v3  }
0x175: {  	v3 =	vld @!p0 [tilespmem:s24+$0x30];
	_ =	sdelay $0x2  }
.Ltmp7:
0x176: {  	(pc) =	sbr.rel @p2 .LBB2_9-.Ltmp7, $4  }
0x177: {  	s6 =	sadd.s32 $0x2, s6;
	s24 =	sadd.s32 $0x80, s24  }
0x178: {  	s12 =	sadd.s32 $0xFFFFFFFF, s6;
	s13 =	simm.s32 @!p0 $0x7800;
	s11 =	simm.s32 @!p0 $0x3;
	[tilespmem:$0x7830] =	vst @!p0 v3  }
0x179: {  	[spmem:s3] =	stream.indirect.scatter.add.f32 @!p0 [tilespmem:s10], [sflag:$0x3], $0x80, s13, s9, $0xb8;
	[tilespmem:$0x1F180] =	vst v63  }
0x17a: {  	s5 =	sadd.s32 $0x80, s5;
	p3 =	sge.s32 s12, s23;
	_ =	swait.ge @!p0 [sflag:s11], $0x2000  }
.Ltmp8:
0x17b: {  	_ = 	snop;
	(pc) =	sbr.rel .LBB2_10-.Ltmp8, $1  }
0x17c: {  	_ =	sdelay $0x3  }
.LBB2_12:
0x17d: {  	_ =	sfence.sel $0x180000  }
0x17e: {  	[bflag:$0x0] =	sbarrier.arrive $0xFFFF  }
0x17f: {  	_ =	strace $0x9000004A  }
0x180: {  	s0 =	stileid.u32;
	[bflag:$0x2] =	sbarrier.arrive $0xFFFF  }
0x181: {  	p0 =	sne.s32 s0, $0x0;
	s0 =	rddreg [dreg:$0x4]  }
0x182: {  	s0 =	sadd.s32 @!p0 $0x100000, s0  }
0x183: {  	[sflag:s0] =	ssyncadd.tile.s32 @!p0 $0x1;
	_ =	shalt  }
.Lfunc_end2:
_tile_overlayer_lowered:
.L_overlay_start_2:
0x184: {  	(tag) =	ssettag $0x2  }
0x185: {  	s0 =	rddreg [dreg:$0x0];
	s2 =	stileid.u32  }
0x186: {  	s1 =	rddreg [dreg:$0x1];
	p0 =	sne.s32 s2, $0x0  }
0x187: {  	s3 =	rddreg [dreg:$0x2];
	[bflag:$0x3] =	sbarrier.arrive $0xFFFF;
	s2 =	simm.s32 @!p0 $0x1C03  }
0x188: {  	[timem:s3], [sflag:s2] =	dma.local @!p0 [hbm:s0], s1  }
0x189: {  	s0 =	simm.s32 @!p0 $0x3  }
0x18a: {  	_ =	swait.ge @!p0 [sflag:s0], s1  }
0x18b: {  	s1 =	ssub.s32 @!p0 $0x0, s1;
	[sflag:s0] =	ssyncset.done @!p0 $0x0  }
0x18c: {  	[sflag:s0] =	ssyncadd.s32 @!p0 s1  }
0x18d: {  	[bflag:$0x3] =	sbarrier.arrive $0xFFFF  }
0x18e: {  	_ =	shalt  }

// kernel: kernel.7.cloned.1.call-start
scs
__scs_entry_jumppad:
0x0: {  	(pc) =	sbr.rel $0x88, $3  }
0x1: {  	(tag) =	ssettag $0x0;
	lr =	simm.s32 $0x1  }
0x2: {  	[smem:$0x3F99] =	sst lr;
	_ =	strace $0xD0000000  }
0x3: {  	_ = 	snop  }
0x4: {  	_ = 	snop  }
0x5: {  	_ = 	snop  }
0x6: {  	_ = 	snop  }
0x7: {  	_ = 	snop  }
__scs_overlays_trampoline_lowered:
0x8: {  	[smem:$0x3FA8] =	sst s0  }
0x9: {  	[smem:$0x3FA9] =	sst s1  }
0xa: {  	[smem:$0x3FAA] =	sst s2  }
0xb: {  	[smem:$0x3FAB] =	sst s3  }
0xc: {  	[smem:$0x3FAC] =	sst s4  }
0xd: {  	[smem:$0x3FAD] =	sst s5  }
0xe: {  	[smem:$0x3FAE] =	sst s6  }
0xf: {  	[smem:$0x3FAF] =	sst s7  }
0x10: {  	[smem:$0x3FB0] =	sst s8  }
0x11: {  	[smem:$0x3FB1] =	sst s9;
	s0 =	simm.s32 @!p0 $0x0  }
0x12: {  	s1 =	sld [smem:$0x3F97];
	s0 =	simm.s32 @p0 $0x1  }
0x13: {  	[smem:$0x3FB2] =	sst s0;
	s0 =	simm.s32 @!p1 $0x0  }
0x14: {  	s2 =	sld [smem:$0x3F96];
	s0 =	simm.s32 @p1 $0x1  }
0x15: {  	[smem:$0x3FB3] =	sst s0;
	s0 =	simm.s32 @!p2 $0x0  }
0x16: {  	s3 =	sld [smem:$0x3FDB];
	s0 =	simm.s32 @p2 $0x1  }
0x17: {  	s4 =	simm.s32 $0x1BF5;
	[smem:$0x3FB5] =	sst s0  }
0x18: {  	s0 =	sld [smem:$0x3F98];
	_ =	swait.ge [sflag:s4], $0x0  }
0x19: {  	s7 =	sld [smem:$0x3F99]  }
0x1a: {  	s8 =	sadd.s32 $0xFFFFE003, lr  }
0x1b: {  	s9 =	sadd.s32 $0xFFFFFEF7, lr;
	s5 =	simm.s32 $0xFFFFFFFF;
	p2 =	slt.u32 s8, $0xFFFFF086  }
0x1c: {  	p1 =	slt.u32 s9, $0xF7A;
	s5 =	simm.s32 @!p2 $0x0  }
0x1d: {  	s5 =	simm.s32 @p1 $0x1;
	p0 =	seq.s32 s7, s2  }
0x1e: {  	s7 =	smul.u32 @!p0 $0xF7A, s2;
	p2 =	seq.s32 @!p0 s5, $0x0  }
0x1f: {  	s9 =	smul.u32 $0xF7A, s1;
	s8 =	simm.s32 @!p0 $0x1BF5;
	p2 =	por !p2, p0  }
0x20: {  	[sflag:s8] =	ssyncset.s32 @!p0 $0xFFFFF086;
	s6 =	sadd.s32 @!p0 s3, s7;
	s7 =	simm.s32 @!p0 $0x108  }
0x21: {  	s3 =	sadd.s32 s3, s9;
	s6 =	sadd.s32 @!p0 $0x88, s6;
	s7 =	simm.s32 @p2 $0x1082  }
0x22: {  	[simem:s7], [sflag:s8] =	dma.local @!p0 [hbm:s6], $0xF7A  }
0x23: {  	s9 =	sor.u32 $0xD0000000, s2;
	s6 =	simm.s32 $0x108;
	_ =	swait.ge @!p0 [sflag:s8], $0x0  }
0x24: {  	s3 =	sadd.s32 $0x88, s3;
	s6 =	simm.s32 @!p1 $0x1082;
	[sflag:s4] =	ssyncset.s32 $0xFFFFF086  }
0x25: {  	[simem:s6], [sflag:s4] =	dma.local [hbm:s3], $0xF7A  }
0x26: {  	[smem:$0x3F99] =	sst s1;
	(tag) =	ssettag s2;
	_ =	strace s9  }
0x27: {  	s1 =	sld [smem:$0x3FA9]  }
0x28: {  	s2 =	sld [smem:$0x3FAA]  }
0x29: {  	s4 =	sld [smem:$0x3FAC]  }
0x2a: {  	p0 =	seq.s32 s5, $0x0;
	s5 =	sld [smem:$0x3FAD]  }
0x2b: {  	s6 =	sld [smem:$0x3FAE]  }
0x2c: {  	s7 =	sld [smem:$0x3FAF]  }
0x2d: {  	s3 =	simm.s32 $0x108;
	s8 =	sld [smem:$0x3FB0]  }
0x2e: {  	s3 =	simm.s32 @!p0 $0x1082;
	s9 =	sld [smem:$0x3FB1]  }
0x2f: {  	lr =	sadd.s32 s0, s3;
	s0 =	sld [smem:$0x3FA8]  }
0x30: {  	s3 =	sld [smem:$0x3FAB]  }
0x31: {  	[smem:$0x3FB4] =	sst s10  }
0x32: {  	s10 =	sld [smem:$0x3FB2];
	_ =	sdelay $0x3  }
0x33: {  	p0 =	seq.s32 s10, $0x1;
	s10 =	sld [smem:$0x3FB4];
	_ =	sdelay $0x3  }
0x34: {  	[smem:$0x3FB4] =	sst s10  }
0x35: {  	s10 =	sld [smem:$0x3FB3];
	_ =	sdelay $0x3  }
0x36: {  	p1 =	seq.s32 s10, $0x1;
	s10 =	sld [smem:$0x3FB4];
	_ =	sdelay $0x3  }
0x37: {  	[smem:$0x3FB4] =	sst s10  }
0x38: {  	s10 =	sld [smem:$0x3FB5]  }
0x39: {  	_ = 	snop;
	(pc) =	sbr.ind lr, $3  }
0x3a: {  	_ = 	snop  }
0x3b: {  	_ = 	snop  }
0x3c: {  	p2 =	seq.s32 s10, $0x1;
	s10 =	sld [smem:$0x3FB4]  }
0x3d: {  	_ =	shalt  }
0x3e: {  	_ =	shalt  }
0x3f: {  	_ =	shalt  }
0x40: {  	_ =	shalt  }
0x41: {  	_ =	shalt  }
0x42: {  	_ =	shalt  }
0x43: {  	_ =	shalt  }
0x44: {  	_ =	shalt  }
0x45: {  	_ =	shalt  }
0x46: {  	_ =	shalt  }
0x47: {  	_ =	shalt  }
0x48: {  	_ =	shalt  }
0x49: {  	_ =	shalt  }
0x4a: {  	_ =	shalt  }
0x4b: {  	_ =	shalt  }
0x4c: {  	_ =	shalt  }
0x4d: {  	_ =	shalt  }
0x4e: {  	_ =	shalt  }
0x4f: {  	_ =	shalt  }
0x50: {  	_ =	shalt  }
0x51: {  	_ =	shalt  }
0x52: {  	_ =	shalt  }
0x53: {  	_ =	shalt  }
0x54: {  	_ =	shalt  }
0x55: {  	_ =	shalt  }
0x56: {  	_ =	shalt  }
0x57: {  	_ =	shalt  }
0x58: {  	_ =	shalt  }
0x59: {  	_ =	shalt  }
0x5a: {  	_ =	shalt  }
0x5b: {  	_ =	shalt  }
0x5c: {  	_ =	shalt  }
0x5d: {  	_ =	shalt  }
0x5e: {  	_ =	shalt  }
0x5f: {  	_ =	shalt  }
0x60: {  	_ =	shalt  }
0x61: {  	_ =	shalt  }
0x62: {  	_ =	shalt  }
0x63: {  	_ =	shalt  }
0x64: {  	_ =	shalt  }
0x65: {  	_ =	shalt  }
0x66: {  	_ =	shalt  }
0x67: {  	_ =	shalt  }
0x68: {  	_ =	shalt  }
0x69: {  	_ =	shalt  }
0x6a: {  	_ =	shalt  }
0x6b: {  	_ =	shalt  }
0x6c: {  	_ =	shalt  }
0x6d: {  	_ =	shalt  }
0x6e: {  	_ =	shalt  }
0x6f: {  	_ =	shalt  }
0x70: {  	_ =	shalt  }
0x71: {  	_ =	shalt  }
0x72: {  	_ =	shalt  }
0x73: {  	_ =	shalt  }
0x74: {  	_ =	shalt  }
0x75: {  	_ =	shalt  }
0x76: {  	_ =	shalt  }
0x77: {  	_ =	shalt  }
0x78: {  	_ =	shalt  }
0x79: {  	_ =	shalt  }
0x7a: {  	_ =	shalt  }
0x7b: {  	_ =	shalt  }
0x7c: {  	_ =	shalt  }
0x7d: {  	_ =	shalt  }
0x7e: {  	_ =	shalt  }
0x7f: {  	_ =	shalt  }
0x80: {  	_ =	shalt  }
0x81: {  	_ =	shalt  }
0x82: {  	_ =	shalt  }
0x83: {  	_ =	shalt  }
0x84: {  	_ =	shalt  }
0x85: {  	_ =	shalt  }
0x86: {  	_ =	shalt  }
0x87: {  	_ =	shalt  }
.Lfunc_end0:
.L_simem_size_0:
called_computation_lowered:
.L_overlay_start_0:
0x88: {  	s2 =	sld [smem:$0x3FD9]  }
0x89: {  	s3 =	sld [smem:$0x3FFE];
	_ =	sdelay $0x1  }
0x8a: {  	s1 =	srdreg.scid  }
0x8b: {  	s0 =	sand.u32 $0x1, s1  }
0x8c: {  	s17 =	sshll.u32 s0, $0xA;
	s2 =	sadd.s32 s3, s2  }
0x8d: {  	s2 =	sadd.s32 s2, s17  }
0x8e: {  	[smem:$0x3FC0] =	sst s2  }
0x8f: {  	_ = 	snop  }
0x90: {  	s2 =	sld [smem:$0x3FC9]  }
0x91: {  	s18 =	sld [smem:$0x3FD0];
	(tm) =	ssettm $0x1  }
0x92: {  	s4 =	sld [smem:$0x3FFB];
	_ =	sdelay $0x3  }
0x93: {  	_ =	strace s4  }
0x94: {  	s4 =	sld [smem:$0x3FFC];
	_ =	sdelay $0x3  }
0x95: {  	_ =	strace s4  }
0x96: {  	s4 =	sld [smem:$0x3FFD];
	_ =	sdelay $0x3  }
0x97: {  	_ =	strace s4  }
0x98: {  	_ =	strace $0x8FFFFFFF  }
0x99: {  	s19 =	sld [smem:$0x3FDB];
	_ =	sdelay $0x1  }
0x9a: {  	s5 =	simm.s32 $_scs_section_size  }
0x9b: {  	s6 =	simm.s32 $_size__tile_overlayer_lowered;
	s7 =	simm.s32 $_tile_overlayer_lowered  }
0x9c: {  	s22 =	simm.s32 $0x1BFF;
	s21 =	sshll.u32 s7, $0x1;
	s4 =	sadd.s32 s5, s19  }
0x9d: {  	s8 =	simm.s32 $0x0;
	s20 =	sshll.u32 s6, $0x1;
	s6 =	sadd.s32 s21, s4  }
0x9e: {  	[timem:s8], [sflag:s22] =	dma.local [hbm:s6], s20  }
0x9f: {  	_ =	swait.ge [sflag:s22], s20  }
0xa0: {  	s5 =	ssub.s32 $0x0, s20;
	[sflag:s22] =	ssyncset.done $0x0  }
0xa1: {  	[sflag:s22] =	ssyncadd.s32 s5;
	_ =	sdelay $0x1  }
0xa2: {  	s23 =	simm.s32 $0x1B8B  }
0xa3: {  	_ =	swait.ge [sflag:s23], $0x1  }
0xa4: {  	[sflag:s23] =	ssyncset.done $0x0  }
0xa5: {  	s25 =	simm.s32 $0x1B8E;
	s24 =	sld [smem:$0x3FFE];
	[sflag:s23] =	ssyncadd.s32 $0xFFFFFFFF  }
0xa6: {  	s26 =	simm.s32 $execute0_lowered;
	[smem:$0x3FD2] =	sst s25  }
0xa7: {  	s6 =	sshll.u32 s26, $0x1;
	_ =	strace $0x80000046;
	[dreg:$0x1] =	wrdreg $0xFFFFFFFF  }
0xa8: {  	s28 =	simm.s32 $_size_execute0_lowered;
	s4 =	sadd.s32 s4, s6;
	[dreg:$0x0] =	wrdreg $0x0  }
0xa9: {  	s6 =	sshll.u32 s28, $0x1;
	[dreg:$0x2] =	wrdreg s4  }
0xaa: {  	[dreg:$0x3] =	wrdreg s6  }
0xab: {  	[dreg:$0x4] =	wrdreg $0xC0  }
0xac: {  	_ =	task [dreg:s8], $0x5FFFF  }
0xad: {  	[dreg:$0x1] =	wrdreg $0xFFFFFFFF  }
0xae: {  	[dreg:$0x0] =	wrdreg $0x60  }
0xaf: {  	[dreg:$0x2] =	wrdreg s18  }
0xb0: {  	[dreg:$0x3] =	wrdreg s24  }
0xb1: {  	[dreg:$0x4] =	wrdreg s2  }
0xb2: {  	[dreg:$0x5] =	wrdreg $0x9  }
0xb3: {  	_ =	task.clear_ibuf [dreg:s8], $0x6FFFF;
	_ =	strace $0x90000046  }
0xb4: {  	s29 =	simm.s32 $0x9;
	_ =	strace $0x80000048  }
0xb5: {  	_ =	swait.ge [sflag:s29], $0x1  }
0xb6: {  	[sflag:s29] =	ssyncadd.s32 $0xFFFFFFFF  }
0xb7: {  	_ =	strace $0x90000048  }
0xb8: {  	_ =	sfence  }
0xb9: {  	s30 =	sld [smem:$0x0];
	_ =	sdelay $0x2  }
0xba: {  	s31 =	sshll.u32 s1, $0xD;
	s1 =	sshrl.u32 s1, $0x2  }
0xbb: {  	s3 =	sand.u32 $0x4000, s31;
	s1 =	sadd.s32 s1, s30  }
0xbc: {  	s0 =	sor.u32 s3, s0;
	s1 =	sshll.u32 s1, $0x11  }
0xbd: {  	s0 =	sor.u32 s1, s0  }
0xbe: {  	s0 =	sadd.s32 $0x8F2B, s0  }
0xbf: {  	[sflag:s0] =	ssyncadd.remote.s32 $0x1  }
0xc0: {  	_ =	sfence.sel $0xFFFF  }
0xc1: {  	[dreg:$0x0] =	wrdreg $0xFFFFFFFF;
	(pc) =	sbr.abs _section_cstart, $3  }
0xc2: {  	[dreg:$0x1] =	wrdreg $0xFFFFFFFF  }
0xc3: {  	_ =	task.clear_ibuf [dreg:s8], $0x2FFFF;
	_ =	strace $0x9FFFFFFF  }
0xc4: {  	(tm) =	ssettm $0x7FFFFFFF  }
0xc5: {  	_ =	shalt  }
tec
execute0_lowered:
.L_overlay_start_1:
0x0: {  	(tag) =	ssettag $0x1  }
0x1: {  	s4 =	rddreg [dreg:$0x0]  }
0x2: {  	s1 =	srdreg.scid;
	s5 =	rddreg [dreg:$0x1]  }
0x3: {  	s0 =	stileid.u32;
	s2 =	rddreg [dreg:$0x2];
	s3 =	simm.s32 $0x0  }
0x4: {  	s15 =	simm.s32 $0x1;
	s16 =	simm.s32 $0x2780;
	s17 =	simm.s32 $0x9E00  }
0x5: {  	s18 =	simm.s32 $0x2;
	s19 =	simm.s32 $0x40;
	s20 =	simm.s32 $0xC980  }
0x6: {  	s8 =	sand.u32 $0x1, s1;
	s6 =	smul.u32 $0x2710, s0;
	s1 =	rddreg [dreg:$0x3]  }
0x7: {  	s21 =	simm.s32 $0x0;
	[smem:$0x7FF] =	sst s3;
	s7 =	smul.u32 $0x4E200, s8  }
0x8: {  	s11 =	sshll.u32 s0, $0xA;
	s30 =	sshll.u32 s0, $0x6;
	s9 =	smul.u32 $0x27100, s8  }
0x9: {  	_ =	strace $0x80000047;
	s10 =	sshll.u32 s8, $0x7;
	s29 =	ssub.s32 $0x2, s8  }
0xa: {  	s13 =	smul.u32 $0x4E2, s8;
	s11 =	sadd.s32 s11, s5;
	s31 =	sshll.u32 s8, $0xE  }
0xb: {  	s28 =	sadd.s32 s10, s5;
	s12 =	sshrl.u32 s29, $0x1;
	s10 =	sadd.s32 s31, s11  }
0xc: {  	s7 =	sadd.s32 s6, s7;
	s6 =	sadd.s32 s6, s9;
	s12 =	ssub.s32 s29, s12  }
0xd: {  	s4 =	sadd.s32 s4, s13;
	s9 =	sadd.s32 $0xC580, s30;
	s10 =	sadd.s32 $0x1F600, s10  }
0xe: {  	s13 =	simm.s32 $0x7680;
	s7 =	sshrl.u32 s7, $0x3;
	s6 =	sshrl.u32 s6, $0x3  }
0xf: {  	s11 =	smax.u32 s12, $0x1;
	s12 =	simm.s32 $0x4F00;
	s7 =	sadd.s32 s7, s5  }
0x10: {  	s14 =	sadd.s32 s6, s5;
	s5 =	sadd.s32 $0x1E00, s7;
	s6 =	sadd.s32 $0x6C20, s7  }
0x11: {  	v0 =	vimm.f32 $0.0e+00;
	v1 =	vimm.f32 $1.000000000e+00;
	s7 =	sadd.s32 $0x1C00, s28;
	s8 =	sadd.s32 $0x15800, s14;
	s14 =	simm.s32 $0xC580  }
.LBB2_1:
0x12: {  	[tilespmem:s3], [sflag:$0x1] =	stream.linear.gather [hbm4b:s4+s3], $0x2710, $0x38;
	[tilespmem:$0xE980] =	vst v63  }
0x13: {  	_ = 	snop  }
0x14: {  	[tilespmem:s12], [sflag:$0x1] =	stream.linear.gather [hbm4b:s5+s3], $0x2710, $0x38;
	[tilespmem:$0xE980] =	vst v63  }
0x15: {  	_ = 	snop  }
0x16: {  	[tilespmem:s13], [sflag:$0x1] =	stream.linear.gather [hbm4b:s6+s3], $0x2710, $0x38;
	[tilespmem:$0xE980] =	vst v63  }
0x17: {  	_ = 	snop  }
0x18: {  	[tilespmem:s14], [sflag:$0x1] =	stream.linear.gather [hbm4b:s7+s3], $0x400, $0x38;
	[tilespmem:$0xE980] =	vst v63  }
0x19: {  	_ =	swait.ge [sflag:s15], $0x2710  }
0x1a: {  	[sflag:s15] =	ssyncset.done $0x0  }
0x1b: {  	[sflag:s15] =	ssyncadd.s32 $0xFFFFD8F0  }
0x1c: {  	_ =	swait.ge [sflag:s15], $0x2710  }
0x1d: {  	[sflag:s15] =	ssyncset.done $0x0  }
0x1e: {  	[sflag:s15] =	ssyncadd.s32 $0xFFFFD8F0  }
0x1f: {  	_ =	swait.ge [sflag:s15], $0x2710  }
0x20: {  	[sflag:s15] =	ssyncset.done $0x0  }
0x21: {  	[sflag:s15] =	ssyncadd.s32 $0xFFFFD8F0  }
0x22: {  	_ =	swait.ge [sflag:s15], $0x400  }
0x23: {  	[sflag:s15] =	ssyncset.done $0x0  }
0x24: {  	s22 =	simm.s32 $0x40;
	s23 =	simm.s32 $0x0;
	[sflag:s15] =	ssyncadd.s32 $0xFFFFFC00  }
.LBB2_2:
0x25: {  	p0 =	sne.s32 s22, $0x9C00;
	[tilespmem:s23+$0x2780] =	vst v0;
	s23 =	smov.u32 s22;
	s22 =	sadd.s32 $0x40, s22  }
.Ltmp0:
0x26: {  	(pc) =	sbr.rel @p0 .LBB2_2-.Ltmp0, $2  }
0x27: {  	_ =	sdelay $0x2  }
0x28: {  	s23 =	sshra.s32 s23, $0x2  }
0x29: {  	[tilespmem:s23+$0x2780] =	vst v0;
	s23 =	simm.s32 $0x0;
	s22 =	simm.s32 $0x40  }
.LBB2_4:
0x2a: {  	p0 =	sne.s32 s22, $0xFC0;
	v2 =	vld [tilespmem:s23+$0xC580];
	_ =	sdelay $0x3  }
.Ltmp1:
0x2b: {  	(pc) =	sbr.rel @p0 .LBB2_4-.Ltmp1, $2  }
0x2c: {  	_ =	sdelay $0x2  }
0x2d: {  	s23 =	sshra.s32 s22, $0x2;
	s22 =	sadd.s32 $0x40, s22;
	[tilespmem:v2+s16+$0x0] =	vst.idx.msk $0xffff, v1  }
0x2e: {  	v2 =	vld [tilespmem:s23+$0xC580];
	_ =	sdelay $0x7  }
0x2f: {  	s22 =	simm.s32 $0x0;
	[tilespmem:v2+s16+$0x0] =	vst.idx.msk $0xffff, v1  }
0x30: {  	v2 =	vld [tilespmem:s22+$0x7680]  }
0x31: {  	v3 =	vld [tilespmem:s22+$0x4F00];
	_ =	sdelay $0x6  }
0x32: {  	v4 =	vld.idx.msk [tilespmem:v2+s3+$0x0], $0xffff  }
0x33: {  	v3 =	vld.idx.msk [tilespmem:v3+s3+$0x0], $0xffff;
	_ =	sdelay $0x2  }
0x34: {  	v5 =	vld [tilespmem:s22+$0x4F10]  }
0x35: {  	v2 =	vld.idx.msk [tilespmem:v2+s16+$0x0], $0xffff  }
0x36: {  	v3 =	vsub.f32 v4, v3;
	v4 =	vld [tilespmem:s22+$0x7690];
	_ =	sdelay $0x1  }
0x37: {  	v3 =	vand.u32 $0x7FFFFFFF, v3  }
0x38: {  	v6 =	vsub.f32 $0.0e+00, v3  }
0x39: {  	vm0 =	vgt.f32 v2, $0.0e+00  }
0x3a: {  	v2 =	vsel vm0, v3, v6  }
0x3b: {  	[tilespmem:s22+$0x9E00] =	vst v2  }
0x3c: {  	v2 =	vld.idx.msk [tilespmem:v5+s3+$0x0], $0xffff  }
0x3d: {  	v3 =	vld.idx.msk [tilespmem:v4+s3+$0x0], $0xffff;
	_ =	sdelay $0x2  }
0x3e: {  	v5 =	vld [tilespmem:s22+$0x4F20]  }
0x3f: {  	v4 =	vld.idx.msk [tilespmem:v4+s16+$0x0], $0xffff  }
0x40: {  	v2 =	vsub.f32 v3, v2;
	v3 =	vld [tilespmem:s22+$0x76A0];
	_ =	sdelay $0x1  }
0x41: {  	v2 =	vand.u32 $0x7FFFFFFF, v2  }
0x42: {  	v6 =	vsub.f32 $0.0e+00, v2  }
0x43: {  	vm14 =	vgt.f32 v4, $0.0e+00  }
0x44: {  	v2 =	vsel vm14, v2, v6  }
0x45: {  	[tilespmem:s22+$0x9E10] =	vst v2  }
0x46: {  	v2 =	vld.idx.msk [tilespmem:v5+s3+$0x0], $0xffff  }
0x47: {  	v4 =	vld.idx.msk [tilespmem:v3+s3+$0x0], $0xffff;
	_ =	sdelay $0x2  }
0x48: {  	v5 =	vld [tilespmem:s22+$0x4F30]  }
0x49: {  	v3 =	vld.idx.msk [tilespmem:v3+s16+$0x0], $0xffff  }
0x4a: {  	v2 =	vsub.f32 v4, v2;
	v4 =	vld [tilespmem:s22+$0x76B0];
	_ =	sdelay $0x1  }
0x4b: {  	v2 =	vand.u32 $0x7FFFFFFF, v2  }
0x4c: {  	v6 =	vsub.f32 $0.0e+00, v2  }
0x4d: {  	vm15 =	vgt.f32 v3, $0.0e+00  }
0x4e: {  	v2 =	vsel vm15, v2, v6  }
0x4f: {  	[tilespmem:s22+$0x9E20] =	vst v2  }
0x50: {  	v5 =	vld.idx.msk [tilespmem:v5+s3+$0x0], $0xffff  }
0x51: {  	v6 =	vld.idx.msk [tilespmem:v4+s3+$0x0], $0xffff;
	_ =	sdelay $0x2  }
0x52: {  	s25 =	simm.s32 $0x40;
	v4 =	vld.idx.msk [tilespmem:v4+s16+$0x0], $0xffff  }
0x53: {  	v2 =	vld [tilespmem:s25+$0x7680]  }
0x54: {  	s23 =	simm.s32 $0x200;
	v3 =	vld [tilespmem:s25+$0x4F00];
	v5 =	vsub.f32 v6, v5  }
.LBB2_6:
0x55: {  	p0 =	sne.s32 s23, $0x9B00;
	s24 =	smov.u32 s23;
	s23 =	sadd.s32 $0x100, s23  }
0x56: {  	v5 =	vand.u32 $0x7FFFFFFF, v5  }
0x57: {  	vm0 =	vgt.f32 v4, $0.0e+00;
	v4 =	vsub.f32 $0.0e+00, v5;
	_ =	sdelay $0x1  }
0x58: {  	v4 =	vsel vm0, v5, v4  }
0x59: {  	[tilespmem:s22+$0x9E30] =	vst v4;
	s22 =	smov.u32 s25  }
0x5a: {  	v4 =	vld.idx.msk [tilespmem:v2+s3+$0x0], $0xffff  }
0x5b: {  	v3 =	vld.idx.msk [tilespmem:v3+s3+$0x0], $0xffff;
	_ =	sdelay $0x3  }
0x5c: {  	v2 =	vld.idx.msk [tilespmem:v2+s16+$0x0], $0xffff  }
0x5d: {  	v5 =	vld [tilespmem:s22+$0x4F10]  }
0x5e: {  	v3 =	vsub.f32 v4, v3;
	v4 =	vld [tilespmem:s22+$0x7690];
	_ =	sdelay $0x1  }
0x5f: {  	v3 =	vand.u32 $0x7FFFFFFF, v3  }
0x60: {  	v6 =	vsub.f32 $0.0e+00, v3  }
0x61: {  	vm0 =	vgt.f32 v2, $0.0e+00  }
0x62: {  	v2 =	vsel vm0, v3, v6  }
0x63: {  	[tilespmem:s22+$0x9E00] =	vst v2  }
0x64: {  	v2 =	vld.idx.msk [tilespmem:v5+s3+$0x0], $0xffff  }
0x65: {  	v3 =	vld.idx.msk [tilespmem:v4+s3+$0x0], $0xffff;
	_ =	sdelay $0x3  }
0x66: {  	v4 =	vld.idx.msk [tilespmem:v4+s16+$0x0], $0xffff  }
0x67: {  	v5 =	vld [tilespmem:s22+$0x4F20]  }
0x68: {  	v2 =	vsub.f32 v3, v2;
	v3 =	vld [tilespmem:s22+$0x76A0];
	_ =	sdelay $0x1  }
0x69: {  	v2 =	vand.u32 $0x7FFFFFFF, v2  }
0x6a: {  	v6 =	vsub.f32 $0.0e+00, v2  }
0x6b: {  	vm0 =	vgt.f32 v4, $0.0e+00  }
0x6c: {  	v2 =	vsel vm0, v2, v6  }
0x6d: {  	[tilespmem:s22+$0x9E10] =	vst v2  }
0x6e: {  	v2 =	vld.idx.msk [tilespmem:v5+s3+$0x0], $0xffff  }
0x6f: {  	v4 =	vld.idx.msk [tilespmem:v3+s3+$0x0], $0xffff;
	_ =	sdelay $0x3  }
0x70: {  	v3 =	vld.idx.msk [tilespmem:v3+s16+$0x0], $0xffff  }
0x71: {  	v5 =	vld [tilespmem:s22+$0x4F30]  }
0x72: {  	v2 =	vsub.f32 v4, v2;
	v4 =	vld [tilespmem:s22+$0x76B0];
	_ =	sdelay $0x1  }
0x73: {  	v2 =	vand.u32 $0x7FFFFFFF, v2  }
0x74: {  	v6 =	vsub.f32 $0.0e+00, v2  }
0x75: {  	vm0 =	vgt.f32 v3, $0.0e+00  }
0x76: {  	v2 =	vsel vm0, v2, v6  }
0x77: {  	[tilespmem:s22+$0x9E20] =	vst v2  }
0x78: {  	v5 =	vld.idx.msk [tilespmem:v5+s3+$0x0], $0xffff  }
0x79: {  	v6 =	vld.idx.msk [tilespmem:v4+s3+$0x0], $0xffff  }
0x7a: {  	v4 =	vld.idx.msk [tilespmem:v4+s16+$0x0], $0xffff  }
.Ltmp2:
0x7b: {  	(pc) =	sbr.rel @p0 .LBB2_6-.Ltmp2, $4  }
0x7c: {  	s25 =	sshra.s32 s24, $0x2  }
0x7d: {  	v3 =	vld [tilespmem:s25+$0x4F00]  }
0x7e: {  	v2 =	vld [tilespmem:s25+$0x7680]  }
0x7f: {  	v5 =	vsub.f32 v6, v5  }
0x80: {  	_ =	sdelay $0x1  }
0x81: {  	v5 =	vand.u32 $0x7FFFFFFF, v5  }
0x82: {  	v6 =	vsub.f32 $0.0e+00, v5  }
0x83: {  	vm0 =	vgt.f32 v4, $0.0e+00  }
0x84: {  	v4 =	vsel vm0, v5, v6  }
0x85: {  	[tilespmem:s22+$0x9E30] =	vst v4  }
0x86: {  	v4 =	vld.idx.msk [tilespmem:v2+s3+$0x0], $0xffff  }
0x87: {  	v3 =	vld.idx.msk [tilespmem:v3+s3+$0x0], $0xffff;
	_ =	sdelay $0x2  }
0x88: {  	v2 =	vld.idx.msk [tilespmem:v2+s16+$0x0], $0xffff  }
0x89: {  	v53 =	vld [tilespmem:s25+$0x4F10]  }
0x8a: {  	v54 =	vld [tilespmem:s25+$0x7690];
	v3 =	vsub.f32 v4, v3;
	_ =	sdelay $0x1  }
0x8b: {  	v3 =	vand.u32 $0x7FFFFFFF, v3  }
0x8c: {  	v55 =	vsub.f32 $0.0e+00, v3  }
0x8d: {  	vm11 =	vgt.f32 v2, $0.0e+00  }
0x8e: {  	v2 =	vsel vm11, v3, v55  }
0x8f: {  	[tilespmem:s25+$0x9E00] =	vst v2  }
0x90: {  	v2 =	vld.idx.msk [tilespmem:v53+s3+$0x0], $0xffff  }
0x91: {  	v3 =	vld.idx.msk [tilespmem:v54+s3+$0x0], $0xffff;
	_ =	sdelay $0x2  }
0x92: {  	v56 =	vld [tilespmem:s25+$0x4F20]  }
0x93: {  	v4 =	vld.idx.msk [tilespmem:v54+s16+$0x0], $0xffff  }
0x94: {  	v2 =	vsub.f32 v3, v2;
	v3 =	vld [tilespmem:s25+$0x76A0];
	_ =	sdelay $0x1  }
0x95: {  	v2 =	vand.u32 $0x7FFFFFFF, v2  }
0x96: {  	v57 =	vsub.f32 $0.0e+00, v2  }
0x97: {  	vm12 =	vgt.f32 v4, $0.0e+00  }
0x98: {  	v2 =	vsel vm12, v2, v57  }
0x99: {  	[tilespmem:s25+$0x9E10] =	vst v2  }
0x9a: {  	v2 =	vld.idx.msk [tilespmem:v56+s3+$0x0], $0xffff  }
0x9b: {  	v58 =	vld.idx.msk [tilespmem:v3+s3+$0x0], $0xffff;
	_ =	sdelay $0x2  }
0x9c: {  	v59 =	vld [tilespmem:s25+$0x4F30]  }
0x9d: {  	v3 =	vld.idx.msk [tilespmem:v3+s16+$0x0], $0xffff  }
0x9e: {  	v60 =	vld [tilespmem:s25+$0x76B0];
	v2 =	vsub.f32 v58, v2;
	_ =	sdelay $0x1  }
0x9f: {  	v2 =	vand.u32 $0x7FFFFFFF, v2  }
0xa0: {  	v61 =	vsub.f32 $0.0e+00, v2  }
0xa1: {  	vm13 =	vgt.f32 v3, $0.0e+00  }
0xa2: {  	v2 =	vsel vm13, v2, v61  }
0xa3: {  	[tilespmem:s25+$0x9E20] =	vst v2  }
0xa4: {  	v2 =	vld.idx.msk [tilespmem:v59+s3+$0x0], $0xffff  }
0xa5: {  	v3 =	vld.idx.msk [tilespmem:v60+s3+$0x0], $0xffff;
	_ =	sdelay $0x3  }
0xa6: {  	v4 =	vld.idx.msk [tilespmem:v60+s16+$0x0], $0xffff  }
0xa7: {  	v2 =	vsub.f32 v3, v2;
	_ =	sdelay $0x1  }
0xa8: {  	v2 =	vand.u32 $0x7FFFFFFF, v2  }
0xa9: {  	v3 =	vsub.f32 $0.0e+00, v2  }
0xaa: {  	vm14 =	vgt.f32 v4, $0.0e+00  }
0xab: {  	v2 =	vsel vm14, v2, v3  }
0xac: {  	[tilespmem:s25+$0x9E30] =	vst v2  }
0xad: {  	v2 =	vld [tilespmem:$0x7600]  }
0xae: {  	v3 =	vld [tilespmem:$0x9D80];
	_ =	sdelay $0x6  }
0xaf: {  	v2 =	vld.idx.msk [tilespmem:v2+s3+$0x0], $0xffff  }
0xb0: {  	v62 =	vld.idx.msk [tilespmem:v3+s3+$0x0], $0xffff;
	_ =	sdelay $0x3  }
0xb1: {  	v3 =	vld.idx.msk [tilespmem:v3+s16+$0x0], $0xffff  }
0xb2: {  	v2 =	vsub.f32 v62, v2;
	_ =	sdelay $0x1  }
0xb3: {  	v2 =	vand.u32 $0x7FFFFFFF, v2  }
0xb4: {  	v63 =	vsub.f32 $0.0e+00, v2  }
0xb5: {  	vm15 =	vgt.f32 v3, $0.0e+00  }
0xb6: {  	v2 =	vsel vm15, v2, v63  }
0xb7: {  	[tilespmem:$0xC500] =	vst v2  }
0xb8: {  	[hbm4b:s8+s3] =	stream.linear.scatter [tilespmem:s17], [sflag:$0x2], $0x2710, $0x38;
	[tilespmem:$0xE980] =	vst v63  }
0xb9: {  	_ =	swait.ge [sflag:s18], $0x2710  }
0xba: {  	[sflag:s18] =	ssyncset.done $0x0  }
0xbb: {  	[sflag:s18] =	ssyncadd.s32 $0xFFFFD8F0  }
0xbc: {  	[tilespmem:s20], [sflag:$0x1] =	stream.indirect.gather [hbm4b:s2+s19], $0x80, s9, s19, $0xb8;
	[tilespmem:$0xE980] =	vst v63  }
0xbd: {  	s21 =	sadd.s32 $0x1, s21;
	_ =	swait.ge [sflag:s15], $0x2000  }
0xbe: {  	p0 =	sne.s32 s21, s11;
	[sflag:s15] =	ssyncset.done $0x0  }
.Ltmp3:
0xbf: {  	[sflag:s15] =	ssyncadd.s32 $0xFFFFE000;
	(pc) =	sbr.rel @p0 .LBB2_1-.Ltmp3, $4  }
0xc0: {  	[hbm4b:s10+s3] =	stream.linear.scatter [tilespmem:s20], [sflag:$0x2], $0x2000, $0x38;
	[tilespmem:$0xE980] =	vst v63  }
0xc1: {  	_ =	swait.ge [sflag:s18], $0x2000  }
0xc2: {  	[sflag:s18] =	ssyncset.done $0x0  }
0xc3: {  	[sflag:s18] =	ssyncadd.s32 $0xFFFFE000  }
0xc4: {  	_ =	sfence.sel $0x180000  }
0xc5: {  	[bflag:$0x0] =	sbarrier.arrive $0xFFFF  }
0xc6: {  	p0 =	sne.s32 s0, $0x0;
	_ =	strace $0x90000047  }
0xc7: {  	s0 =	sadd.s32 @!p0 $0x100000, s1;
	[bflag:$0x2] =	sbarrier.arrive $0xFFFF  }
0xc8: {  	[sflag:s0] =	ssyncadd.tile.s32 @!p0 $0x1;
	_ =	shalt  }
.Lfunc_end2:
_tile_overlayer_lowered:
.L_overlay_start_2:
0xc9: {  	(tag) =	ssettag $0x2  }
0xca: {  	s0 =	rddreg [dreg:$0x0];
	s2 =	stileid.u32  }
0xcb: {  	s1 =	rddreg [dreg:$0x1];
	p0 =	sne.s32 s2, $0x0  }
0xcc: {  	s3 =	rddreg [dreg:$0x2];
	[bflag:$0x3] =	sbarrier.arrive $0xFFFF;
	s2 =	simm.s32 @!p0 $0x1C02  }
0xcd: {  	[timem:s3], [sflag:s2] =	dma.local @!p0 [hbm:s0], s1  }
0xce: {  	s0 =	simm.s32 @!p0 $0x2  }
0xcf: {  	_ =	swait.ge @!p0 [sflag:s0], s1  }
0xd0: {  	s1 =	ssub.s32 @!p0 $0x0, s1;
	[sflag:s0] =	ssyncset.done @!p0 $0x0  }
0xd1: {  	[sflag:s0] =	ssyncadd.s32 @!p0 s1  }
0xd2: {  	[bflag:$0x3] =	sbarrier.arrive $0xFFFF  }
0xd3: {  	_ =	shalt  }

</sc_bundles>
